<compile_context>
chip_gen: v7x
topology: tpu7x:2x2x1
jax: 0.10.2.dev20260603
libtpu: 0.0.44.dev20260713+nightly
codegen_flags: <defaults>
</compile_context>

<pallas_src>
import functools

import jax
import jax.numpy as jnp
from jax import lax
from jax.experimental import pallas as pl
from jax.experimental.pallas import tpu as pltpu
from jax.experimental.pallas import tpu_sc as plsc

_N_OBJ = 1000
_N_REL = 4000
_C = 151
_R = 51
_H = 512
_REL_BLK = 1000
_IOU_THR = 0.3


def _proj_kernel(x_ref, w_ref, b_ref, o_ref):
    o_ref[...] = (
        jnp.dot(x_ref[...], w_ref[...], preferred_element_type=jnp.float32)
        + b_ref[...]
    )


def _project(x, w, b, bm):
    m, k = x.shape
    n = w.shape[1]
    return pl.pallas_call(
        _proj_kernel,
        grid=(m // bm,),
        in_specs=[
            pl.BlockSpec((bm, k), lambda i: (i, 0)),
            pl.BlockSpec((k, n), lambda i: (0, 0)),
            pl.BlockSpec((1, n), lambda i: (0, 0)),
        ],
        out_specs=pl.BlockSpec((bm, n), lambda i: (i, 0)),
        out_shape=jax.ShapeDtypeStruct((m, n), jnp.float32),
    )(x, w, b.reshape(1, n))


def _pp_kernel(lg_ref, wp_ref, o_ref):
    lg = lg_ref[...]
    m = jnp.max(lg, axis=1, keepdims=True)
    e = jnp.exp(lg - m)
    p = e / jnp.sum(e, axis=1, keepdims=True)
    o_ref[...] = jnp.dot(p, wp_ref[...], preferred_element_type=jnp.float32)


def _probs_proj(obj_logits, w_prob):
    return pl.pallas_call(
        _pp_kernel,
        out_shape=jax.ShapeDtypeStruct((_N_OBJ, _R), jnp.float32),
    )(obj_logits, w_prob)


_SC_CORES = 2
_SC_SUBCORES = 16
_NW = _SC_CORES * _SC_SUBCORES
_GB = 8192
_GD = _H + 128
_GCHUNK = 128


def _sc_gather(table, idx):
    bpw = _GB // _NW
    mesh = plsc.VectorSubcoreMesh(core_axis_name="c", subcore_axis_name="s")

    @functools.partial(
        pl.kernel,
        mesh=mesh,
        out_type=jax.ShapeDtypeStruct((_GB, _GD), jnp.float32),
        scratch_types=[
            pltpu.VMEM((_GCHUNK,), jnp.int32),
            pltpu.VMEM((_GCHUNK, _GD), jnp.float32),
            pltpu.SemaphoreType.DMA,
        ],
    )
    def k(table_hbm, idx_hbm, out_hbm, idx_v, rows_v, sem):
        wid = lax.axis_index("s") * _SC_CORES + lax.axis_index("c")
        base = wid * bpw
        for c in range(bpw // _GCHUNK):
            off = base + c * _GCHUNK
            pltpu.sync_copy(idx_hbm.at[pl.ds(off, _GCHUNK)], idx_v)
            pltpu.async_copy(table_hbm.at[idx_v], rows_v, sem).wait()
            pltpu.sync_copy(rows_v, out_hbm.at[pl.ds(off, _GCHUNK)])

    return k(table, idx)


def _rel_kernel(gs_ref, go_ref, pps_ref, ppo_ref, v_ref, wc_ref, bc_ref,
                logits_ref, sm_ref):
    feat = gs_ref[...] * go_ref[...] + v_ref[...]
    logits = (
        jnp.dot(feat, wc_ref[...], preferred_element_type=jnp.float32)
        + bc_ref[...]
        + (pps_ref[...] + ppo_ref[...])
    )
    logits_ref[...] = logits
    m = jnp.max(logits, axis=1, keepdims=True)
    e = jnp.exp(logits - m)
    sm_ref[...] = e / jnp.sum(e, axis=1, keepdims=True)


def _rel_head(gs, go, pps, ppo, v, w_cls, b_cls):
    nblk = _N_REL // _REL_BLK
    return pl.pallas_call(
        _rel_kernel,
        grid=(nblk,),
        in_specs=[
            pl.BlockSpec((_REL_BLK, _H), lambda i: (i, 0)),
            pl.BlockSpec((_REL_BLK, _H), lambda i: (i, 0)),
            pl.BlockSpec((_REL_BLK, _R), lambda i: (i, 0)),
            pl.BlockSpec((_REL_BLK, _R), lambda i: (i, 0)),
            pl.BlockSpec((_REL_BLK, _H), lambda i: (i, 0)),
            pl.BlockSpec((_H, _R), lambda i: (0, 0)),
            pl.BlockSpec((1, _R), lambda i: (0, 0)),
        ],
        out_specs=[
            pl.BlockSpec((_REL_BLK, _R), lambda i: (i, 0)),
            pl.BlockSpec((_REL_BLK, _R), lambda i: (i, 0)),
        ],
        out_shape=[
            jax.ShapeDtypeStruct((_N_REL, _R), jnp.float32),
            jax.ShapeDtypeStruct((_N_REL, _R), jnp.float32),
        ],
    )(gs, go, pps, ppo, v, w_cls, b_cls.reshape(1, _R))


def _nms_kernel(x1_ref, y1_ref, x2_ref, y2_ref, sc_ref, pred_ref):
    x1 = x1_ref[...]
    y1 = y1_ref[...]
    x2 = x2_ref[...]
    y2 = y2_ref[...]
    sc = sc_ref[...]
    areas = jnp.maximum(x2 - x1, 0.0) * jnp.maximum(y2 - y1, 0.0)
    neg = jnp.float32(-jnp.inf)
    bi = jax.lax.broadcasted_iota(jnp.int32, sc.shape, 1)

    def pick(masked, vals, _):
        cur = jnp.max(masked, axis=1, keepdims=True)
        iscand = (masked == cur) & (masked > neg)
        mi = jnp.min(jnp.where(iscand, bi, _N_OBJ), axis=1, keepdims=True)
        first = bi == mi
        f = first.astype(jnp.float32)
        cx1 = jnp.sum(x1 * f, axis=1, keepdims=True)
        cy1 = jnp.sum(y1 * f, axis=1, keepdims=True)
        cx2 = jnp.sum(x2 * f, axis=1, keepdims=True)
        cy2 = jnp.sum(y2 * f, axis=1, keepdims=True)
        iw = jnp.maximum(jnp.minimum(cx2, x2) - jnp.maximum(cx1, x1), 0.0)
        ih = jnp.maximum(jnp.minimum(cy2, y2) - jnp.maximum(cy1, y1), 0.0)
        inter = iw * ih
        carea = jnp.maximum(cx2 - cx1, 0.0) * jnp.maximum(cy2 - cy1, 0.0)
        iou = inter / (carea + areas - inter + 1e-9)
        removed = (iou > _IOU_THR) | first
        done = jnp.max(cur) == neg
        return jnp.where(removed, neg, masked), vals + f * sc, done

    def cond(state):
        return jnp.logical_not(state[2])

    def body(state):
        state = pick(*state)
        state = pick(*state)
        state = pick(*state)
        return pick(*state)

    masked, vals, _ = jax.lax.while_loop(
        cond, body, (sc, jnp.zeros_like(sc), jnp.bool_(False)))
    best = jnp.max(vals, axis=0, keepdims=True)
    ci = jax.lax.broadcasted_iota(jnp.int32, sc.shape, 0)
    cand = vals == best
    pred_ref[...] = jnp.min(jnp.where(cand, ci, _C), axis=0, keepdims=True) + 1


def _nms_preds(x1, y1, x2, y2, sc):
    return pl.pallas_call(
        _nms_kernel,
        out_shape=jax.ShapeDtypeStruct((1, _N_OBJ), jnp.int32),
    )(x1, y1, x2, y2, sc)


def kernel(im_inds, obj_fmaps, obj_logits, rel_inds, vr, boxes_per_cls,
           W_obj, b_obj, W_relp, b_relp, W_cls, b_cls, W_prob):
    fm = _project(obj_fmaps, W_obj, b_obj, _N_OBJ)
    pp = _probs_proj(obj_logits, W_prob)
    table = jnp.concatenate(
        [fm, pp, jnp.zeros((_N_OBJ, _GD - _H - _R), jnp.float32)], axis=1)
    idx = jnp.concatenate(
        [rel_inds[:, 1], rel_inds[:, 2],
         jnp.zeros((_GB - 2 * _N_REL,), jnp.int32)])
    g = _sc_gather(table, idx)

    bc = jnp.transpose(boxes_per_cls[:, 1:, :], (1, 0, 2))
    x1 = bc[:, :, 0]
    y1 = bc[:, :, 1]
    x2 = bc[:, :, 2]
    y2 = bc[:, :, 3]
    sc = jnp.transpose(obj_logits[:, 1:], (1, 0))
    obj_preds = _nms_preds(x1, y1, x2, y2, sc).reshape(_N_OBJ)

    v = _project(vr, W_relp, b_relp, _REL_BLK)
    gs = g[:_N_REL, :_H]
    go = g[_N_REL:2 * _N_REL, :_H]
    pps = g[:_N_REL, _H:_H + _R]
    ppo = g[_N_REL:2 * _N_REL, _H:_H + _R]
    rel_logits, scpred_softmax = _rel_head(gs, go, pps, ppo, v, W_cls, b_cls)

    scent_softmax = jnp.zeros((0, _C), dtype=jnp.float32)
    return (obj_logits, obj_preds, rel_logits, scpred_softmax, scent_softmax)

# --- scband reference (transcript-rebuilt; emitter-appended) ---
"""Pipeline reference for scband-ggnnrel-reason-17575006175919 (READ-ONLY COPY).

The authoritative reference and input builder live on the scoring server;
editing this copy changes nothing except your own understanding.
"""

import jax, jax.numpy as jnp
import numpy as np

N_OBJ = 1000
N_REL = 4000
NUM_OBJ_CLS = 151
NUM_REL_CLS = 51
OBJ_DIM = 4096
REL_DIM = 4096
HID = 512


def _nms_keep_mask(boxes, scores, iou_thr):
    # greedy NMS identical in semantics to torchvision.ops.nms; returns boolean keep mask
    n = boxes.shape[0]
    order = jnp.argsort(-scores)
    b = boxes[order]
    areas = jnp.clip(b[:, 2] - b[:, 0], 0.0) * jnp.clip(b[:, 3] - b[:, 1], 0.0)
    idx = jnp.arange(n)

    def body(i, supp):
        cur = b[i]
        xx1 = jnp.maximum(cur[0], b[:, 0])
        yy1 = jnp.maximum(cur[1], b[:, 1])
        xx2 = jnp.minimum(cur[2], b[:, 2])
        yy2 = jnp.minimum(cur[3], b[:, 3])
        inter = jnp.clip(xx2 - xx1, 0.0) * jnp.clip(yy2 - yy1, 0.0)
        area_i = jnp.clip(cur[2] - cur[0], 0.0) * jnp.clip(cur[3] - cur[1], 0.0)
        iou = inter / (area_i + areas - inter + 1e-9)
        mask = (iou > iou_thr) & (idx > i)
        return jnp.where(supp[i], supp, supp | mask)

    supp = jax.lax.fori_loop(0, n, body, jnp.zeros((n,), dtype=bool))
    keep_sorted = jnp.logical_not(supp)
    keep = jnp.zeros((n,), dtype=bool).at[order].set(keep_sorted)
    return keep


def setup_inputs(seed: int = 0):
    key = jax.random.key(seed)
    ks = jax.random.split(key, 16)
    im_inds = jnp.zeros((N_OBJ,), dtype=jnp.int32)  # single image
    obj_fmaps = jax.random.normal(ks[0], (N_OBJ, OBJ_DIM), dtype=jnp.float32)
    obj_logits = jax.random.normal(ks[1], (N_OBJ, NUM_OBJ_CLS), dtype=jnp.float32)
    pairs = jax.random.randint(ks[2], (N_REL, 2), 0, N_OBJ, dtype=jnp.int32)
    rel_inds = jnp.concatenate([jnp.zeros((N_REL, 1), dtype=jnp.int32), pairs], axis=1)
    vr = jax.random.normal(ks[3], (N_REL, REL_DIM), dtype=jnp.float32)
    xy = jax.random.uniform(ks[4], (N_OBJ, NUM_OBJ_CLS, 2), dtype=jnp.float32) * 512.0
    wh = jax.random.uniform(ks[5], (N_OBJ, NUM_OBJ_CLS, 2), dtype=jnp.float32) * 96.0 + 4.0
    boxes_per_cls = jnp.concatenate([xy, xy + wh], axis=2)
    W_obj = jax.random.normal(ks[6], (OBJ_DIM, HID), dtype=jnp.float32) / np.sqrt(OBJ_DIM)
    b_obj = jnp.zeros((HID,), dtype=jnp.float32)
    W_relp = jax.random.normal(ks[7], (REL_DIM, HID), dtype=jnp.float32) / np.sqrt(REL_DIM)
    b_relp = jnp.zeros((HID,), dtype=jnp.float32)
    W_cls = jax.random.normal(ks[8], (HID, NUM_REL_CLS), dtype=jnp.float32) / np.sqrt(HID)
    b_cls = jnp.zeros((NUM_REL_CLS,), dtype=jnp.float32)
    W_prob = jax.random.normal(ks[9], (NUM_OBJ_CLS, NUM_REL_CLS), dtype=jnp.float32) / np.sqrt(NUM_OBJ_CLS)
    return {"im_inds": im_inds, "obj_fmaps": obj_fmaps, "obj_logits": obj_logits,
            "rel_inds": rel_inds, "vr": vr, "boxes_per_cls": boxes_per_cls,
            "W_obj": W_obj, "b_obj": b_obj, "W_relp": W_relp, "b_relp": b_relp,
            "W_cls": W_cls, "b_cls": b_cls, "W_prob": W_prob}


def reference(im_inds, obj_fmaps, obj_logits, rel_inds, vr, boxes_per_cls,
              W_obj, b_obj, W_relp, b_relp, W_cls, b_cls, W_prob):
    # mode == 'sgdet', eval path; single image so the per-image loop collapses
    obj_probs = jax.nn.softmax(obj_logits, axis=1)
    fm = obj_fmaps @ W_obj + b_obj          # obj_proj
    v = vr @ W_relp + b_relp                # rel_proj
    s = rel_inds[:, 1]
    o = rel_inds[:, 2]
    # GGNN relation head (surrogate: gather subject/object features, fuse with visual rel feat)
    feat = fm[s] * fm[o] + v
    rel_logits = feat @ W_cls + b_cls + (obj_probs[s] + obj_probs[o]) @ W_prob
    scpred_softmax = jax.nn.softmax(rel_logits, axis=1)
    # refine_obj_cls=False -> obj_logits unchanged; obj_probs reassigned to obj_logits
    probs_for_nms = obj_logits
    # per-class NMS over classes 1..150 (class 0 = background stays zero in mask)
    boxes_cls = jnp.transpose(boxes_per_cls[:, 1:, :], (1, 0, 2))   # [C-1, N, 4]
    scores_cls = jnp.transpose(probs_for_nms[:, 1:], (1, 0))        # [C-1, N]
    keep = jax.vmap(lambda bb, ss: _nms_keep_mask(bb, ss, 0.3))(boxes_cls, scores_cls)
    nms_mask = jnp.concatenate(
        [jnp.zeros((probs_for_nms.shape[0], 1), jnp.float32),
         jnp.transpose(keep, (1, 0)).astype(jnp.float32)], axis=1)
    obj_preds = jnp.argmax((nms_mask * probs_for_nms)[:, 1:], axis=1) + 1
    scent_softmax = jnp.zeros((0, NUM_OBJ_CLS), dtype=jnp.float32)  # refine_obj_cls=False
    return (obj_logits, obj_preds, rel_logits, scpred_softmax, scent_softmax)

if __name__ == "__main__":
    import jax
    _d = setup_inputs()
    print(jax.jit(kernel)(*tuple(_d.values())))

</pallas_src>

<mosaic_0001>
#map = affine_map<(d0, d1) -> (0, 0)>
#map1 = affine_map<(d0, d1) -> (0)>
module attributes {stable_mosaic.version = 14 : i64} {
  func.func @k(%arg0: i32, %arg1: i32, %arg2: memref<1000x640xf32, #tpu.memory_space<hbm>>, %arg3: memref<8192xi32, #tpu.memory_space<hbm>>, %arg4: memref<8192x640xf32, #tpu.memory_space<hbm>>, %arg5: memref<128xi32, #tpu.memory_space<vmem>>, %arg6: memref<128x640xf32, #tpu.memory_space<vmem>>, %arg7: memref<!tpu.dma_semaphore, #tpu.memory_space<semaphore_mem>>) attributes {dimension_semantics = [#tpu.dimension_semantics<core_parallel>, #tpu.dimension_semantics<subcore_parallel>], iteration_bounds = array<i64: 2, 16>, scalar_prefetch = 0 : i64, scratch_operands = 3 : i64, tpu.core_type = #tpu.core_type<sc_vector_subcore>, window_params = [{transform_indices = #map}, {transform_indices = #map1}, {transform_indices = #map}]} {
    %mul3A = arith.constant 2 : i32
    %mul3A_0 = arith.muli %arg1, %mul3A : i32
    %add3A = arith.addi %mul3A_0, %arg0 : i32
    %mul3A_1 = arith.constant 256 : i32
    %mul3A_2 = arith.muli %add3A, %mul3A_1 : i32
    %add3A_3 = arith.constant 0 : i32
    %add3A_4 = arith.addi %mul3A_2, %add3A_3 : i32
    "tpu.region"() ({
      %run_scoped3A = tpu.sem_alloc : memref<!tpu.dma_semaphore, #tpu.memory_space<semaphore_mem>>
      %dma_start3A_17 = tpu.memref_slice %arg3[%add3A_4] : memref<8192xi32, #tpu.memory_space<hbm>> -> memref<128xi32, #tpu.memory_space<hbm>>
      %dma_start3A_18 = tpu.memref_slice %arg3[%add3A_4] : memref<8192xi32, #tpu.memory_space<hbm>> -> memref<128xi32, #tpu.memory_space<hbm>>
      tpu.enqueue_dma source(%dma_start3A_18 : memref<128xi32, #tpu.memory_space<hbm>>) target(%arg5 : memref<128xi32, #tpu.memory_space<vmem>>) target_semaphore(%run_scoped3A : memref<!tpu.dma_semaphore, #tpu.memory_space<semaphore_mem>>)
      %dma_wait3A_19 = tpu.memref_slice %arg3[%add3A_4] : memref<8192xi32, #tpu.memory_space<hbm>> -> memref<128xi32, #tpu.memory_space<hbm>>
      %dma_wait3A_20 = tpu.memref_slice %arg3[%add3A_4] : memref<8192xi32, #tpu.memory_space<hbm>> -> memref<128xi32, #tpu.memory_space<hbm>>
      tpu.wait_dma2 semaphore(%run_scoped3A : memref<!tpu.dma_semaphore, #tpu.memory_space<semaphore_mem>>) src(%dma_wait3A_20 : memref<128xi32, #tpu.memory_space<hbm>>) dst(%arg5 : memref<128xi32, #tpu.memory_space<vmem>>)
      tpu.yield
    }) : () -> ()
    %dma_start3A = arith.constant 0 : i32
    %dma_start3A_5 = arith.constant 0 : i32
    %dma_start3A_6 = tpu.memref_slice %arg2[%dma_start3A, %dma_start3A_5] : memref<1000x640xf32, #tpu.memory_space<hbm>> -> memref<1000x640xf32, #tpu.memory_space<hbm>>
    tpu.enqueue_indirect_dma source(%dma_start3A_6 : memref<1000x640xf32, #tpu.memory_space<hbm>>) target(%arg6 : memref<128x640xf32, #tpu.memory_space<vmem>>) offsets(%arg5 : memref<128xi32, #tpu.memory_space<vmem>>) semaphore(%arg7 : memref<!tpu.dma_semaphore, #tpu.memory_space<semaphore_mem>>)
    %dma_wait3A = arith.constant 0 : i32
    %dma_wait3A_7 = arith.constant 0 : i32
    %dma_wait3A_8 = tpu.memref_slice %arg2[%dma_wait3A, %dma_wait3A_7] : memref<1000x640xf32, #tpu.memory_space<hbm>> -> memref<1000x640xf32, #tpu.memory_space<hbm>>
    tpu.wait_indirect_dma semaphore(%arg7 : memref<!tpu.dma_semaphore, #tpu.memory_space<semaphore_mem>>) src(%dma_wait3A_8 : memref<1000x640xf32, #tpu.memory_space<hbm>>) dst(%arg6 : memref<128x640xf32, #tpu.memory_space<vmem>>)
    "tpu.region"() ({
      %run_scoped3A = tpu.sem_alloc : memref<!tpu.dma_semaphore, #tpu.memory_space<semaphore_mem>>
      %dma_start3A_17 = arith.constant 0 : i32
      %dma_start3A_18 = tpu.memref_slice %arg4[%add3A_4, %dma_start3A_17] : memref<8192x640xf32, #tpu.memory_space<hbm>> -> memref<128x640xf32, #tpu.memory_space<hbm>>
      %dma_start3A_19 = arith.constant 0 : i32
      %dma_start3A_20 = tpu.memref_slice %arg4[%add3A_4, %dma_start3A_19] : memref<8192x640xf32, #tpu.memory_space<hbm>> -> memref<128x640xf32, #tpu.memory_space<hbm>>
      tpu.enqueue_dma source(%arg6 : memref<128x640xf32, #tpu.memory_space<vmem>>) target(%dma_start3A_20 : memref<128x640xf32, #tpu.memory_space<hbm>>) target_semaphore(%run_scoped3A : memref<!tpu.dma_semaphore, #tpu.memory_space<semaphore_mem>>)
      %dma_wait3A_21 = arith.constant 0 : i32
      %dma_wait3A_22 = tpu.memref_slice %arg4[%add3A_4, %dma_wait3A_21] : memref<8192x640xf32, #tpu.memory_space<hbm>> -> memref<128x640xf32, #tpu.memory_space<hbm>>
      %dma_wait3A_23 = arith.constant 0 : i32
      %dma_wait3A_24 = tpu.memref_slice %arg4[%add3A_4, %dma_wait3A_23] : memref<8192x640xf32, #tpu.memory_space<hbm>> -> memref<128x640xf32, #tpu.memory_space<hbm>>
      tpu.wait_dma2 semaphore(%run_scoped3A : memref<!tpu.dma_semaphore, #tpu.memory_space<semaphore_mem>>) src(%arg6 : memref<128x640xf32, #tpu.memory_space<vmem>>) dst(%dma_wait3A_24 : memref<128x640xf32, #tpu.memory_space<hbm>>)
      tpu.yield
    }) : () -> ()
    %add3A_9 = arith.constant 128 : i32
    %add3A_10 = arith.addi %mul3A_2, %add3A_9 : i32
    "tpu.region"() ({
      %run_scoped3A = tpu.sem_alloc : memref<!tpu.dma_semaphore, #tpu.memory_space<semaphore_mem>>
      %dma_start3A_17 = tpu.memref_slice %arg3[%add3A_10] : memref<8192xi32, #tpu.memory_space<hbm>> -> memref<128xi32, #tpu.memory_space<hbm>>
      %dma_start3A_18 = tpu.memref_slice %arg3[%add3A_10] : memref<8192xi32, #tpu.memory_space<hbm>> -> memref<128xi32, #tpu.memory_space<hbm>>
      tpu.enqueue_dma source(%dma_start3A_18 : memref<128xi32, #tpu.memory_space<hbm>>) target(%arg5 : memref<128xi32, #tpu.memory_space<vmem>>) target_semaphore(%run_scoped3A : memref<!tpu.dma_semaphore, #tpu.memory_space<semaphore_mem>>)
      %dma_wait3A_19 = tpu.memref_slice %arg3[%add3A_10] : memref<8192xi32, #tpu.memory_space<hbm>> -> memref<128xi32, #tpu.memory_space<hbm>>
      %dma_wait3A_20 = tpu.memref_slice %arg3[%add3A_10] : memref<8192xi32, #tpu.memory_space<hbm>> -> memref<128xi32, #tpu.memory_space<hbm>>
      tpu.wait_dma2 semaphore(%run_scoped3A : memref<!tpu.dma_semaphore, #tpu.memory_space<semaphore_mem>>) src(%dma_wait3A_20 : memref<128xi32, #tpu.memory_space<hbm>>) dst(%arg5 : memref<128xi32, #tpu.memory_space<vmem>>)
      tpu.yield
    }) : () -> ()
    %dma_start3A_11 = arith.constant 0 : i32
    %dma_start3A_12 = arith.constant 0 : i32
    %dma_start3A_13 = tpu.memref_slice %arg2[%dma_start3A_11, %dma_start3A_12] : memref<1000x640xf32, #tpu.memory_space<hbm>> -> memref<1000x640xf32, #tpu.memory_space<hbm>>
    tpu.enqueue_indirect_dma source(%dma_start3A_13 : memref<1000x640xf32, #tpu.memory_space<hbm>>) target(%arg6 : memref<128x640xf32, #tpu.memory_space<vmem>>) offsets(%arg5 : memref<128xi32, #tpu.memory_space<vmem>>) semaphore(%arg7 : memref<!tpu.dma_semaphore, #tpu.memory_space<semaphore_mem>>)
    %dma_wait3A_14 = arith.constant 0 : i32
    %dma_wait3A_15 = arith.constant 0 : i32
    %dma_wait3A_16 = tpu.memref_slice %arg2[%dma_wait3A_14, %dma_wait3A_15] : memref<1000x640xf32, #tpu.memory_space<hbm>> -> memref<1000x640xf32, #tpu.memory_space<hbm>>
    tpu.wait_indirect_dma semaphore(%arg7 : memref<!tpu.dma_semaphore, #tpu.memory_space<semaphore_mem>>) src(%dma_wait3A_16 : memref<1000x640xf32, #tpu.memory_space<hbm>>) dst(%arg6 : memref<128x640xf32, #tpu.memory_space<vmem>>)
    "tpu.region"() ({
      %run_scoped3A = tpu.sem_alloc : memref<!tpu.dma_semaphore, #tpu.memory_space<semaphore_mem>>
      %dma_start3A_17 = arith.constant 0 : i32
      %dma_start3A_18 = tpu.memref_slice %arg4[%add3A_10, %dma_start3A_17] : memref<8192x640xf32, #tpu.memory_space<hbm>> -> memref<128x640xf32, #tpu.memory_space<hbm>>
      %dma_start3A_19 = arith.constant 0 : i32
      %dma_start3A_20 = tpu.memref_slice %arg4[%add3A_10, %dma_start3A_19] : memref<8192x640xf32, #tpu.memory_space<hbm>> -> memref<128x640xf32, #tpu.memory_space<hbm>>
      tpu.enqueue_dma source(%arg6 : memref<128x640xf32, #tpu.memory_space<vmem>>) target(%dma_start3A_20 : memref<128x640xf32, #tpu.memory_space<hbm>>) target_semaphore(%run_scoped3A : memref<!tpu.dma_semaphore, #tpu.memory_space<semaphore_mem>>)
      %dma_wait3A_21 = arith.constant 0 : i32
      %dma_wait3A_22 = tpu.memref_slice %arg4[%add3A_10, %dma_wait3A_21] : memref<8192x640xf32, #tpu.memory_space<hbm>> -> memref<128x640xf32, #tpu.memory_space<hbm>>
      %dma_wait3A_23 = arith.constant 0 : i32
      %dma_wait3A_24 = tpu.memref_slice %arg4[%add3A_10, %dma_wait3A_23] : memref<8192x640xf32, #tpu.memory_space<hbm>> -> memref<128x640xf32, #tpu.memory_space<hbm>>
      tpu.wait_dma2 semaphore(%run_scoped3A : memref<!tpu.dma_semaphore, #tpu.memory_space<semaphore_mem>>) src(%arg6 : memref<128x640xf32, #tpu.memory_space<vmem>>) dst(%dma_wait3A_24 : memref<128x640xf32, #tpu.memory_space<hbm>>)
      tpu.yield
    }) : () -> ()
    return
  }
}

module attributes {stable_mosaic.version = 14 : i64} {
  func.func @_pp_kernel(%arg0: memref<1000x151xf32, #tpu.memory_space<vmem>>, %arg1: memref<151x51xf32, #tpu.memory_space<vmem>>, %arg2: memref<1000x51xf32, #tpu.memory_space<vmem>>) attributes {dimension_semantics = [], scalar_prefetch = 0 : i64, scratch_operands = 0 : i64, tpu.core_type = #tpu.core_type<tc>} {
    %get3A = arith.constant 0 : index
    %get3A_0 = arith.constant 0 : index
    %get3A_1 = vector.load %arg0[%get3A, %get3A_0] : memref<1000x151xf32, #tpu.memory_space<vmem>>, vector<1000x151xf32>
    %reduce_max3A = arith.constant dense<0xFF800000> : vector<1000xf32>
    %reduce_max3A_2 = vector.multi_reduction <maximumf>, %get3A_1, %reduce_max3A [1] : vector<1000x151xf32> to vector<1000xf32>
    %broadcast_in_dim3A = vector.shape_cast %reduce_max3A_2 : vector<1000xf32> to vector<1000x1xf32>
    %sub3A = vector.broadcast %broadcast_in_dim3A : vector<1000x1xf32> to vector<1000x151xf32>
    %sub3A_3 = arith.subf %get3A_1, %sub3A : vector<1000x151xf32>
    %exp3A = math.exp %sub3A_3 : vector<1000x151xf32>
    %reduce_sum3A = arith.constant dense<0.000000e+00> : vector<1000xf32>
    %reduce_sum3A_4 = vector.multi_reduction <add>, %exp3A, %reduce_sum3A [1] : vector<1000x151xf32> to vector<1000xf32>
    %broadcast_in_dim3A_5 = vector.shape_cast %reduce_sum3A_4 : vector<1000xf32> to vector<1000x1xf32>
    %div3A = vector.broadcast %broadcast_in_dim3A_5 : vector<1000x1xf32> to vector<1000x151xf32>
    %div3A_6 = arith.divf %exp3A, %div3A : vector<1000x151xf32>
    %get3A_7 = arith.constant 0 : index
    %get3A_8 = arith.constant 0 : index
    %get3A_9 = vector.load %arg1[%get3A_7, %get3A_8] : memref<151x51xf32, #tpu.memory_space<vmem>>, vector<151x51xf32>
    %dot_general3A = arith.constant dense<0.000000e+00> : vector<1000x51xf32>
    %dot_general3A_10 = tpu.matmul %div3A_6, %get3A_9, %dot_general3A {dimension_numbers = #tpu.dot_dimension_numbers<[1], [0], [0], [1], [0, 0, 1, 1], [], []>, transpose_lhs_hint = false} : vector<1000x151xf32>, vector<151x51xf32>, vector<1000x51xf32> -> vector<1000x51xf32>
    %swap3A = arith.constant 0 : index
    %swap3A_11 = arith.constant 0 : index
    %swap3A_12 = vector.load %arg2[%swap3A, %swap3A_11] : memref<1000x51xf32, #tpu.memory_space<vmem>>, vector<1000x51xf32>
    tpu.vector_store %arg2[%swap3A, %swap3A_11], %dot_general3A_10 {strides = array<i32>} : memref<1000x51xf32, #tpu.memory_space<vmem>>, vector<1000x51xf32>,
    return
  }
}

module attributes {stable_mosaic.version = 14 : i64} {
  func.func @_proj_kernel(%arg0: i32, %arg1: memref<1000x4096xf32, #tpu.memory_space<vmem>>, %arg2: memref<4096x512xf32, #tpu.memory_space<vmem>>, %arg3: memref<1x512xf32, #tpu.memory_space<vmem>>, %arg4: memref<1000x512xf32, #tpu.memory_space<vmem>>) attributes {dimension_semantics = [#tpu.dimension_semantics<arbitrary>], iteration_bounds = array<i64: 1>, scalar_prefetch = 0 : i64, scratch_operands = 0 : i64, tpu.core_type = #tpu.core_type<tc>, window_params = [{transform_indices = @transform_0, window_bounds = array<i64: 1000, 4096>}, {pipeline_mode = #tpu.pipeline_mode<synchronous>, transform_indices = @transform_1, window_bounds = array<i64: 4096, 512>}, {pipeline_mode = #tpu.pipeline_mode<synchronous>, transform_indices = @transform_2, window_bounds = array<i64: 1, 512>}, {transform_indices = @transform_3, window_bounds = array<i64: 1000, 512>}]} {
    %get3A = arith.constant 0 : index
    %get3A_0 = arith.constant 0 : index
    %get3A_1 = vector.load %arg1[%get3A, %get3A_0] : memref<1000x4096xf32, #tpu.memory_space<vmem>>, vector<1000x4096xf32>
    %get3A_2 = arith.constant 0 : index
    %get3A_3 = arith.constant 0 : index
    %get3A_4 = vector.load %arg2[%get3A_2, %get3A_3] : memref<4096x512xf32, #tpu.memory_space<vmem>>, vector<4096x512xf32>
    %dot_general3A = arith.constant dense<0.000000e+00> : vector<1000x512xf32>
    %dot_general3A_5 = tpu.matmul %get3A_1, %get3A_4, %dot_general3A {dimension_numbers = #tpu.dot_dimension_numbers<[1], [0], [0], [1], [0, 0, 1, 1], [], []>, transpose_lhs_hint = false} : vector<1000x4096xf32>, vector<4096x512xf32>, vector<1000x512xf32> -> vector<1000x512xf32>
    %get3A_6 = arith.constant 0 : index
    %get3A_7 = arith.constant 0 : index
    %get3A_8 = vector.load %arg3[%get3A_6, %get3A_7] : memref<1x512xf32, #tpu.memory_space<vmem>>, vector<1x512xf32>
    %add3A = vector.broadcast %get3A_8 : vector<1x512xf32> to vector<1000x512xf32>
    %add3A_9 = arith.addf %dot_general3A_5, %add3A : vector<1000x512xf32>
    %swap3A = arith.constant 0 : index
    %swap3A_10 = arith.constant 0 : index
    %swap3A_11 = vector.load %arg4[%swap3A, %swap3A_10] : memref<1000x512xf32, #tpu.memory_space<vmem>>, vector<1000x512xf32>
    tpu.vector_store %arg4[%swap3A, %swap3A_10], %add3A_9 {strides = array<i32>} : memref<1000x512xf32, #tpu.memory_space<vmem>>, vector<1000x512xf32>,
    return
  }
  func.func @transform_0(%arg0: i32) -> (i32, i32) {
    %c0_i32 = arith.constant 0 : i32
    %c0_i32_0 = arith.constant 0 : i32
    return %arg0, %c0_i32 : i32, i32
  }
  func.func @transform_1(%arg0: i32) -> (i32, i32) {
    %c0_i32 = arith.constant 0 : i32
    %c0_i32_0 = arith.constant 0 : i32
    %c0_i32_1 = arith.constant 0 : i32
    return %c0_i32, %c0_i32_0 : i32, i32
  }
  func.func @transform_2(%arg0: i32) -> (i32, i32) {
    %c0_i32 = arith.constant 0 : i32
    %c0_i32_0 = arith.constant 0 : i32
    %c0_i32_1 = arith.constant 0 : i32
    return %c0_i32, %c0_i32_0 : i32, i32
  }
  func.func @transform_3(%arg0: i32) -> (i32, i32) {
    %c0_i32 = arith.constant 0 : i32
    %c0_i32_0 = arith.constant 0 : i32
    return %arg0, %c0_i32 : i32, i32
  }
}

module attributes {stable_mosaic.version = 14 : i64} {
  func.func @_proj_kernel(%arg0: i32, %arg1: memref<1000x4096xf32, #tpu.memory_space<vmem>>, %arg2: memref<4096x512xf32, #tpu.memory_space<vmem>>, %arg3: memref<1x512xf32, #tpu.memory_space<vmem>>, %arg4: memref<1000x512xf32, #tpu.memory_space<vmem>>) attributes {dimension_semantics = [#tpu.dimension_semantics<arbitrary>], iteration_bounds = array<i64: 4>, scalar_prefetch = 0 : i64, scratch_operands = 0 : i64, tpu.core_type = #tpu.core_type<tc>, window_params = [{transform_indices = @transform_0, window_bounds = array<i64: 1000, 4096>}, {pipeline_mode = #tpu.pipeline_mode<synchronous>, transform_indices = @transform_1, window_bounds = array<i64: 4096, 512>}, {pipeline_mode = #tpu.pipeline_mode<synchronous>, transform_indices = @transform_2, window_bounds = array<i64: 1, 512>}, {transform_indices = @transform_3, window_bounds = array<i64: 1000, 512>}]} {
    %get3A = arith.constant 0 : index
    %get3A_0 = arith.constant 0 : index
    %get3A_1 = vector.load %arg1[%get3A, %get3A_0] : memref<1000x4096xf32, #tpu.memory_space<vmem>>, vector<1000x4096xf32>
    %get3A_2 = arith.constant 0 : index
    %get3A_3 = arith.constant 0 : index
    %get3A_4 = vector.load %arg2[%get3A_2, %get3A_3] : memref<4096x512xf32, #tpu.memory_space<vmem>>, vector<4096x512xf32>
    %dot_general3A = arith.constant dense<0.000000e+00> : vector<1000x512xf32>
    %dot_general3A_5 = tpu.matmul %get3A_1, %get3A_4, %dot_general3A {dimension_numbers = #tpu.dot_dimension_numbers<[1], [0], [0], [1], [0, 0, 1, 1], [], []>, transpose_lhs_hint = false} : vector<1000x4096xf32>, vector<4096x512xf32>, vector<1000x512xf32> -> vector<1000x512xf32>
    %get3A_6 = arith.constant 0 : index
    %get3A_7 = arith.constant 0 : index
    %get3A_8 = vector.load %arg3[%get3A_6, %get3A_7] : memref<1x512xf32, #tpu.memory_space<vmem>>, vector<1x512xf32>
    %add3A = vector.broadcast %get3A_8 : vector<1x512xf32> to vector<1000x512xf32>
    %add3A_9 = arith.addf %dot_general3A_5, %add3A : vector<1000x512xf32>
    %swap3A = arith.constant 0 : index
    %swap3A_10 = arith.constant 0 : index
    %swap3A_11 = vector.load %arg4[%swap3A, %swap3A_10] : memref<1000x512xf32, #tpu.memory_space<vmem>>, vector<1000x512xf32>
    tpu.vector_store %arg4[%swap3A, %swap3A_10], %add3A_9 {strides = array<i32>} : memref<1000x512xf32, #tpu.memory_space<vmem>>, vector<1000x512xf32>,
    return
  }
  func.func @transform_0(%arg0: i32) -> (i32, i32) {
    %c0_i32 = arith.constant 0 : i32
    %c0_i32_0 = arith.constant 0 : i32
    return %arg0, %c0_i32 : i32, i32
  }
  func.func @transform_1(%arg0: i32) -> (i32, i32) {
    %c0_i32 = arith.constant 0 : i32
    %c0_i32_0 = arith.constant 0 : i32
    %c0_i32_1 = arith.constant 0 : i32
    return %c0_i32, %c0_i32_0 : i32, i32
  }
  func.func @transform_2(%arg0: i32) -> (i32, i32) {
    %c0_i32 = arith.constant 0 : i32
    %c0_i32_0 = arith.constant 0 : i32
    %c0_i32_1 = arith.constant 0 : i32
    return %c0_i32, %c0_i32_0 : i32, i32
  }
  func.func @transform_3(%arg0: i32) -> (i32, i32) {
    %c0_i32 = arith.constant 0 : i32
    %c0_i32_0 = arith.constant 0 : i32
    return %arg0, %c0_i32 : i32, i32
  }
}

module attributes {stable_mosaic.version = 14 : i64} {
  func.func @_nms_kernel(%arg0: memref<150x1000xf32, #tpu.memory_space<vmem>>, %arg1: memref<150x1000xf32, #tpu.memory_space<vmem>>, %arg2: memref<150x1000xf32, #tpu.memory_space<vmem>>, %arg3: memref<150x1000xf32, #tpu.memory_space<vmem>>, %arg4: memref<150x1000xf32, #tpu.memory_space<vmem>>, %arg5: memref<1x1000xi32, #tpu.memory_space<vmem>>) attributes {dimension_semantics = [], scalar_prefetch = 0 : i64, scratch_operands = 0 : i64, tpu.core_type = #tpu.core_type<tc>} {
    %get3A = arith.constant 0 : index
    %get3A_0 = arith.constant 0 : index
    %get3A_1 = vector.load %arg0[%get3A, %get3A_0] : memref<150x1000xf32, #tpu.memory_space<vmem>>, vector<150x1000xf32>
    %get3A_2 = arith.constant 0 : index
    %get3A_3 = arith.constant 0 : index
    %get3A_4 = vector.load %arg1[%get3A_2, %get3A_3] : memref<150x1000xf32, #tpu.memory_space<vmem>>, vector<150x1000xf32>
    %get3A_5 = arith.constant 0 : index
    %get3A_6 = arith.constant 0 : index
    %get3A_7 = vector.load %arg2[%get3A_5, %get3A_6] : memref<150x1000xf32, #tpu.memory_space<vmem>>, vector<150x1000xf32>
    %get3A_8 = arith.constant 0 : index
    %get3A_9 = arith.constant 0 : index
    %get3A_10 = vector.load %arg3[%get3A_8, %get3A_9] : memref<150x1000xf32, #tpu.memory_space<vmem>>, vector<150x1000xf32>
    %get3A_11 = arith.constant 0 : index
    %get3A_12 = arith.constant 0 : index
    %get3A_13 = vector.load %arg4[%get3A_11, %get3A_12] : memref<150x1000xf32, #tpu.memory_space<vmem>>, vector<150x1000xf32>
    %sub3A = arith.subf %get3A_7, %get3A_1 : vector<150x1000xf32>
    %max3A = arith.constant 0.000000e+00 : f32
    %max3A_14 = vector.broadcast %max3A : f32 to vector<150x1000xf32>
    %max3A_15 = arith.maximumf %sub3A, %max3A_14 : vector<150x1000xf32>
    %sub3A_16 = arith.subf %get3A_10, %get3A_4 : vector<150x1000xf32>
    %max3A_17 = arith.constant 0.000000e+00 : f32
    %max3A_18 = vector.broadcast %max3A_17 : f32 to vector<150x1000xf32>
    %max3A_19 = arith.maximumf %sub3A_16, %max3A_18 : vector<150x1000xf32>
    %mul3A = arith.mulf %max3A_15, %max3A_19 : vector<150x1000xf32>
    %iota3A = tpu.iota {dimensions = array<i32: 1>} : vector<150x1000xi32>
    %broadcast_in_dim3A = arith.constant 0.000000e+00 : f32
    %broadcast_in_dim3A_20 = vector.broadcast %broadcast_in_dim3A : f32 to vector<150x1000xf32>
    %while3A = arith.constant 0xFF800000 : f32
    %while3A_21 = arith.constant false
    %while3A_22:3 = scf.while (%while3A_34 = %get3A_13, %while3A_35 = %broadcast_in_dim3A_20, %while3A_36 = %while3A_21) : (vector<150x1000xf32>, vector<150x1000xf32>, i1) -> (vector<150x1000xf32>, vector<150x1000xf32>, i1) {
      %not3A = arith.constant true
      %not3A_37 = arith.xori %while3A_36, %not3A : i1
      scf.condition(%not3A_37) %while3A_34, %while3A_35, %while3A_36 : vector<150x1000xf32>, vector<150x1000xf32>, i1
    } do {
    ^bb0(%while3A_34: vector<150x1000xf32>, %while3A_35: vector<150x1000xf32>, %while3A_36: i1):
      %reduce_max3A_37 = arith.constant dense<0xFF800000> : vector<150xf32>
      %reduce_max3A_38 = vector.multi_reduction <maximumf>, %while3A_34, %reduce_max3A_37 [1] : vector<150x1000xf32> to vector<150xf32>
      %broadcast_in_dim3A_39 = vector.shape_cast %reduce_max3A_38 : vector<150xf32> to vector<150x1xf32>
      %eq3A_40 = vector.broadcast %broadcast_in_dim3A_39 : vector<150x1xf32> to vector<150x1000xf32>
      %eq3A_41 = arith.cmpf oeq, %while3A_34, %eq3A_40 : vector<150x1000xf32>
      %gt3A = vector.broadcast %while3A : f32 to vector<150x1000xf32>
      %gt3A_42 = arith.cmpf ogt, %while3A_34, %gt3A : vector<150x1000xf32>
      %and3A = arith.andi %eq3A_41, %gt3A_42 : vector<150x1000xi1>
      %jit3A_43 = arith.constant 1000 : i32
      %broadcast_in_dim3A_44 = vector.broadcast %jit3A_43 : i32 to vector<150x1000xi32>
      %select_n3A_45 = arith.select %and3A, %iota3A, %broadcast_in_dim3A_44 : vector<150x1000xi1>, vector<150x1000xi32>
      %reduce_min3A_46 = arith.constant dense<2147483647> : vector<150xi32>
      %reduce_min3A_47 = vector.multi_reduction <minsi>, %select_n3A_45, %reduce_min3A_46 [1] : vector<150x1000xi32> to vector<150xi32>
      %broadcast_in_dim3A_48 = vector.shape_cast %reduce_min3A_47 : vector<150xi32> to vector<150x1xi32>
      %eq3A_49 = vector.broadcast %broadcast_in_dim3A_48 : vector<150x1xi32> to vector<150x1000xi32>
      %eq3A_50 = arith.cmpi eq, %iota3A, %eq3A_49 : vector<150x1000xi32>
      %convert_element_type3A = arith.extui %eq3A_50 : vector<150x1000xi1> to vector<150x1000xi32>
      %convert_element_type3A_51 = arith.sitofp %convert_element_type3A : vector<150x1000xi32> to vector<150x1000xf32>
      %mul3A_52 = arith.mulf %get3A_1, %convert_element_type3A_51 : vector<150x1000xf32>
      %reduce_sum3A = arith.constant dense<0.000000e+00> : vector<150xf32>
      %reduce_sum3A_53 = vector.multi_reduction <add>, %mul3A_52, %reduce_sum3A [1] : vector<150x1000xf32> to vector<150xf32>
      %broadcast_in_dim3A_54 = vector.shape_cast %reduce_sum3A_53 : vector<150xf32> to vector<150x1xf32>
      %mul3A_55 = arith.mulf %get3A_4, %convert_element_type3A_51 : vector<150x1000xf32>
      %reduce_sum3A_56 = arith.constant dense<0.000000e+00> : vector<150xf32>
      %reduce_sum3A_57 = vector.multi_reduction <add>, %mul3A_55, %reduce_sum3A_56 [1] : vector<150x1000xf32> to vector<150xf32>
      %broadcast_in_dim3A_58 = vector.shape_cast %reduce_sum3A_57 : vector<150xf32> to vector<150x1xf32>
      %mul3A_59 = arith.mulf %get3A_7, %convert_element_type3A_51 : vector<150x1000xf32>
      %reduce_sum3A_60 = arith.constant dense<0.000000e+00> : vector<150xf32>
      %reduce_sum3A_61 = vector.multi_reduction <add>, %mul3A_59, %reduce_sum3A_60 [1] : vector<150x1000xf32> to vector<150xf32>
      %broadcast_in_dim3A_62 = vector.shape_cast %reduce_sum3A_61 : vector<150xf32> to vector<150x1xf32>
      %mul3A_63 = arith.mulf %get3A_10, %convert_element_type3A_51 : vector<150x1000xf32>
      %reduce_sum3A_64 = arith.constant dense<0.000000e+00> : vector<150xf32>
      %reduce_sum3A_65 = vector.multi_reduction <add>, %mul3A_63, %reduce_sum3A_64 [1] : vector<150x1000xf32> to vector<150xf32>
      %broadcast_in_dim3A_66 = vector.shape_cast %reduce_sum3A_65 : vector<150xf32> to vector<150x1xf32>
      %min3A = vector.broadcast %broadcast_in_dim3A_62 : vector<150x1xf32> to vector<150x1000xf32>
      %min3A_67 = arith.minimumf %min3A, %get3A_7 : vector<150x1000xf32>
      %max3A_68 = vector.broadcast %broadcast_in_dim3A_54 : vector<150x1xf32> to vector<150x1000xf32>
      %max3A_69 = arith.maximumf %max3A_68, %get3A_1 : vector<150x1000xf32>
      %sub3A_70 = arith.subf %min3A_67, %max3A_69 : vector<150x1000xf32>
      %max3A_71 = arith.constant 0.000000e+00 : f32
      %max3A_72 = vector.broadcast %max3A_71 : f32 to vector<150x1000xf32>
      %max3A_73 = arith.maximumf %sub3A_70, %max3A_72 : vector<150x1000xf32>
      %min3A_74 = vector.broadcast %broadcast_in_dim3A_66 : vector<150x1xf32> to vector<150x1000xf32>
      %min3A_75 = arith.minimumf %min3A_74, %get3A_10 : vector<150x1000xf32>
      %max3A_76 = vector.broadcast %broadcast_in_dim3A_58 : vector<150x1xf32> to vector<150x1000xf32>
      %max3A_77 = arith.maximumf %max3A_76, %get3A_4 : vector<150x1000xf32>
      %sub3A_78 = arith.subf %min3A_75, %max3A_77 : vector<150x1000xf32>
      %max3A_79 = arith.constant 0.000000e+00 : f32
      %max3A_80 = vector.broadcast %max3A_79 : f32 to vector<150x1000xf32>
      %max3A_81 = arith.maximumf %sub3A_78, %max3A_80 : vector<150x1000xf32>
      %mul3A_82 = arith.mulf %max3A_73, %max3A_81 : vector<150x1000xf32>
      %sub3A_83 = arith.subf %broadcast_in_dim3A_62, %broadcast_in_dim3A_54 : vector<150x1xf32>
      %max3A_84 = arith.constant 0.000000e+00 : f32
      %max3A_85 = vector.broadcast %max3A_84 : f32 to vector<150x1xf32>
      %max3A_86 = arith.maximumf %sub3A_83, %max3A_85 : vector<150x1xf32>
      %sub3A_87 = arith.subf %broadcast_in_dim3A_66, %broadcast_in_dim3A_58 : vector<150x1xf32>
      %max3A_88 = arith.constant 0.000000e+00 : f32
      %max3A_89 = vector.broadcast %max3A_88 : f32 to vector<150x1xf32>
      %max3A_90 = arith.maximumf %sub3A_87, %max3A_89 : vector<150x1xf32>
      %mul3A_91 = arith.mulf %max3A_86, %max3A_90 : vector<150x1xf32>
      %add3A_92 = vector.broadcast %mul3A_91 : vector<150x1xf32> to vector<150x1000xf32>
      %add3A_93 = arith.addf %add3A_92, %mul3A : vector<150x1000xf32>
      %sub3A_94 = arith.subf %add3A_93, %mul3A_82 : vector<150x1000xf32>
      %add3A_95 = arith.constant 9.99999971E-10 : f32
      %add3A_96 = vector.broadcast %add3A_95 : f32 to vector<150x1000xf32>
      %add3A_97 = arith.addf %sub3A_94, %add3A_96 : vector<150x1000xf32>
      %div3A = arith.divf %mul3A_82, %add3A_97 : vector<150x1000xf32>
      %gt3A_98 = arith.constant 3.000000e-01 : f32
      %gt3A_99 = vector.broadcast %gt3A_98 : f32 to vector<150x1000xf32>
      %gt3A_100 = arith.cmpf ogt, %div3A, %gt3A_99 : vector<150x1000xf32>
      %or3A = arith.ori %gt3A_100, %eq3A_50 : vector<150x1000xi1>
      %reduce_max3A_101 = vector.shape_cast %broadcast_in_dim3A_39 : vector<150x1xf32> to vector<1x150x1xf32>
      %reduce_max3A_102 = arith.constant dense<0xFF800000> : vector<1xf32>
      %reduce_max3A_103 = vector.multi_reduction <maximumf>, %reduce_max3A_101, %reduce_max3A_102 [1, 2] : vector<1x150x1xf32> to vector<1xf32>
      %reduce_max3A_104 = vector.shape_cast %reduce_max3A_103 : vector<1xf32> to vector<1x1x1xf32>
      %reduce_max3A_105 = vector.extract %reduce_max3A_104[0, 0, 0] : f32 from vector<1x1x1xf32>
      %eq3A_106 = arith.cmpf oeq, %reduce_max3A_105, %while3A : f32
      %broadcast_in_dim3A_107 = vector.broadcast %while3A : f32 to vector<150x1000xf32>
      %select_n3A_108 = arith.select %or3A, %broadcast_in_dim3A_107, %while3A_34 : vector<150x1000xi1>, vector<150x1000xf32>
      %mul3A_109 = arith.mulf %convert_element_type3A_51, %get3A_13 : vector<150x1000xf32>
      %add3A_110 = arith.addf %while3A_35, %mul3A_109 : vector<150x1000xf32>
      %reduce_max3A_111 = arith.constant dense<0xFF800000> : vector<150xf32>
      %reduce_max3A_112 = vector.multi_reduction <maximumf>, %select_n3A_108, %reduce_max3A_111 [1] : vector<150x1000xf32> to vector<150xf32>
      %broadcast_in_dim3A_113 = vector.shape_cast %reduce_max3A_112 : vector<150xf32> to vector<150x1xf32>
      %eq3A_114 = vector.broadcast %broadcast_in_dim3A_113 : vector<150x1xf32> to vector<150x1000xf32>
      %eq3A_115 = arith.cmpf oeq, %select_n3A_108, %eq3A_114 : vector<150x1000xf32>
      %gt3A_116 = vector.broadcast %while3A : f32 to vector<150x1000xf32>
      %gt3A_117 = arith.cmpf ogt, %select_n3A_108, %gt3A_116 : vector<150x1000xf32>
      %and3A_118 = arith.andi %eq3A_115, %gt3A_117 : vector<150x1000xi1>
      %jit3A_119 = arith.constant 1000 : i32
      %broadcast_in_dim3A_120 = vector.broadcast %jit3A_119 : i32 to vector<150x1000xi32>
      %select_n3A_121 = arith.select %and3A_118, %iota3A, %broadcast_in_dim3A_120 : vector<150x1000xi1>, vector<150x1000xi32>
      %reduce_min3A_122 = arith.constant dense<2147483647> : vector<150xi32>
      %reduce_min3A_123 = vector.multi_reduction <minsi>, %select_n3A_121, %reduce_min3A_122 [1] : vector<150x1000xi32> to vector<150xi32>
      %broadcast_in_dim3A_124 = vector.shape_cast %reduce_min3A_123 : vector<150xi32> to vector<150x1xi32>
      %eq3A_125 = vector.broadcast %broadcast_in_dim3A_124 : vector<150x1xi32> to vector<150x1000xi32>
      %eq3A_126 = arith.cmpi eq, %iota3A, %eq3A_125 : vector<150x1000xi32>
      %convert_element_type3A_127 = arith.extui %eq3A_126 : vector<150x1000xi1> to vector<150x1000xi32>
      %convert_element_type3A_128 = arith.sitofp %convert_element_type3A_127 : vector<150x1000xi32> to vector<150x1000xf32>
      %mul3A_129 = arith.mulf %get3A_1, %convert_element_type3A_128 : vector<150x1000xf32>
      %reduce_sum3A_130 = arith.constant dense<0.000000e+00> : vector<150xf32>
      %reduce_sum3A_131 = vector.multi_reduction <add>, %mul3A_129, %reduce_sum3A_130 [1] : vector<150x1000xf32> to vector<150xf32>
      %broadcast_in_dim3A_132 = vector.shape_cast %reduce_sum3A_131 : vector<150xf32> to vector<150x1xf32>
      %mul3A_133 = arith.mulf %get3A_4, %convert_element_type3A_128 : vector<150x1000xf32>
      %reduce_sum3A_134 = arith.constant dense<0.000000e+00> : vector<150xf32>
      %reduce_sum3A_135 = vector.multi_reduction <add>, %mul3A_133, %reduce_sum3A_134 [1] : vector<150x1000xf32> to vector<150xf32>
      %broadcast_in_dim3A_136 = vector.shape_cast %reduce_sum3A_135 : vector<150xf32> to vector<150x1xf32>
      %mul3A_137 = arith.mulf %get3A_7, %convert_element_type3A_128 : vector<150x1000xf32>
      %reduce_sum3A_138 = arith.constant dense<0.000000e+00> : vector<150xf32>
      %reduce_sum3A_139 = vector.multi_reduction <add>, %mul3A_137, %reduce_sum3A_138 [1] : vector<150x1000xf32> to vector<150xf32>
      %broadcast_in_dim3A_140 = vector.shape_cast %reduce_sum3A_139 : vector<150xf32> to vector<150x1xf32>
      %mul3A_141 = arith.mulf %get3A_10, %convert_element_type3A_128 : vector<150x1000xf32>
      %reduce_sum3A_142 = arith.constant dense<0.000000e+00> : vector<150xf32>
      %reduce_sum3A_143 = vector.multi_reduction <add>, %mul3A_141, %reduce_sum3A_142 [1] : vector<150x1000xf32> to vector<150xf32>
      %broadcast_in_dim3A_144 = vector.shape_cast %reduce_sum3A_143 : vector<150xf32> to vector<150x1xf32>
      %min3A_145 = vector.broadcast %broadcast_in_dim3A_140 : vector<150x1xf32> to vector<150x1000xf32>
      %min3A_146 = arith.minimumf %min3A_145, %get3A_7 : vector<150x1000xf32>
      %max3A_147 = vector.broadcast %broadcast_in_dim3A_132 : vector<150x1xf32> to vector<150x1000xf32>
      %max3A_148 = arith.maximumf %max3A_147, %get3A_1 : vector<150x1000xf32>
      %sub3A_149 = arith.subf %min3A_146, %max3A_148 : vector<150x1000xf32>
      %max3A_150 = arith.constant 0.000000e+00 : f32
      %max3A_151 = vector.broadcast %max3A_150 : f32 to vector<150x1000xf32>
      %max3A_152 = arith.maximumf %sub3A_149, %max3A_151 : vector<150x1000xf32>
      %min3A_153 = vector.broadcast %broadcast_in_dim3A_144 : vector<150x1xf32> to vector<150x1000xf32>
      %min3A_154 = arith.minimumf %min3A_153, %get3A_10 : vector<150x1000xf32>
      %max3A_155 = vector.broadcast %broadcast_in_dim3A_136 : vector<150x1xf32> to vector<150x1000xf32>
      %max3A_156 = arith.maximumf %max3A_155, %get3A_4 : vector<150x1000xf32>
      %sub3A_157 = arith.subf %min3A_154, %max3A_156 : vector<150x1000xf32>
      %max3A_158 = arith.constant 0.000000e+00 : f32
      %max3A_159 = vector.broadcast %max3A_158 : f32 to vector<150x1000xf32>
      %max3A_160 = arith.maximumf %sub3A_157, %max3A_159 : vector<150x1000xf32>
      %mul3A_161 = arith.mulf %max3A_152, %max3A_160 : vector<150x1000xf32>
      %sub3A_162 = arith.subf %broadcast_in_dim3A_140, %broadcast_in_dim3A_132 : vector<150x1xf32>
      %max3A_163 = arith.constant 0.000000e+00 : f32
      %max3A_164 = vector.broadcast %max3A_163 : f32 to vector<150x1xf32>
      %max3A_165 = arith.maximumf %sub3A_162, %max3A_164 : vector<150x1xf32>
      %sub3A_166 = arith.subf %broadcast_in_dim3A_144, %broadcast_in_dim3A_136 : vector<150x1xf32>
      %max3A_167 = arith.constant 0.000000e+00 : f32
      %max3A_168 = vector.broadcast %max3A_167 : f32 to vector<150x1xf32>
      %max3A_169 = arith.maximumf %sub3A_166, %max3A_168 : vector<150x1xf32>
      %mul3A_170 = arith.mulf %max3A_165, %max3A_169 : vector<150x1xf32>
      %add3A_171 = vector.broadcast %mul3A_170 : vector<150x1xf32> to vector<150x1000xf32>
      %add3A_172 = arith.addf %add3A_171, %mul3A : vector<150x1000xf32>
      %sub3A_173 = arith.subf %add3A_172, %mul3A_161 : vector<150x1000xf32>
      %add3A_174 = arith.constant 9.99999971E-10 : f32
      %add3A_175 = vector.broadcast %add3A_174 : f32 to vector<150x1000xf32>
      %add3A_176 = arith.addf %sub3A_173, %add3A_175 : vector<150x1000xf32>
      %div3A_177 = arith.divf %mul3A_161, %add3A_176 : vector<150x1000xf32>
      %gt3A_178 = arith.constant 3.000000e-01 : f32
      %gt3A_179 = vector.broadcast %gt3A_178 : f32 to vector<150x1000xf32>
      %gt3A_180 = arith.cmpf ogt, %div3A_177, %gt3A_179 : vector<150x1000xf32>
      %or3A_181 = arith.ori %gt3A_180, %eq3A_126 : vector<150x1000xi1>
      %reduce_max3A_182 = vector.shape_cast %broadcast_in_dim3A_113 : vector<150x1xf32> to vector<1x150x1xf32>
      %reduce_max3A_183 = arith.constant dense<0xFF800000> : vector<1xf32>
      %reduce_max3A_184 = vector.multi_reduction <maximumf>, %reduce_max3A_182, %reduce_max3A_183 [1, 2] : vector<1x150x1xf32> to vector<1xf32>
      %reduce_max3A_185 = vector.shape_cast %reduce_max3A_184 : vector<1xf32> to vector<1x1x1xf32>
      %reduce_max3A_186 = vector.extract %reduce_max3A_185[0, 0, 0] : f32 from vector<1x1x1xf32>
      %eq3A_187 = arith.cmpf oeq, %reduce_max3A_186, %while3A : f32
      %broadcast_in_dim3A_188 = vector.broadcast %while3A : f32 to vector<150x1000xf32>
      %select_n3A_189 = arith.select %or3A_181, %broadcast_in_dim3A_188, %select_n3A_108 : vector<150x1000xi1>, vector<150x1000xf32>
      %mul3A_190 = arith.mulf %convert_element_type3A_128, %get3A_13 : vector<150x1000xf32>
      %add3A_191 = arith.addf %add3A_110, %mul3A_190 : vector<150x1000xf32>
      %reduce_max3A_192 = arith.constant dense<0xFF800000> : vector<150xf32>
      %reduce_max3A_193 = vector.multi_reduction <maximumf>, %select_n3A_189, %reduce_max3A_192 [1] : vector<150x1000xf32> to vector<150xf32>
      %broadcast_in_dim3A_194 = vector.shape_cast %reduce_max3A_193 : vector<150xf32> to vector<150x1xf32>
      %eq3A_195 = vector.broadcast %broadcast_in_dim3A_194 : vector<150x1xf32> to vector<150x1000xf32>
      %eq3A_196 = arith.cmpf oeq, %select_n3A_189, %eq3A_195 : vector<150x1000xf32>
      %gt3A_197 = vector.broadcast %while3A : f32 to vector<150x1000xf32>
      %gt3A_198 = arith.cmpf ogt, %select_n3A_189, %gt3A_197 : vector<150x1000xf32>
      %and3A_199 = arith.andi %eq3A_196, %gt3A_198 : vector<150x1000xi1>
      %jit3A_200 = arith.constant 1000 : i32
      %broadcast_in_dim3A_201 = vector.broadcast %jit3A_200 : i32 to vector<150x1000xi32>
      %select_n3A_202 = arith.select %and3A_199, %iota3A, %broadcast_in_dim3A_201 : vector<150x1000xi1>, vector<150x1000xi32>
      %reduce_min3A_203 = arith.constant dense<2147483647> : vector<150xi32>
      %reduce_min3A_204 = vector.multi_reduction <minsi>, %select_n3A_202, %reduce_min3A_203 [1] : vector<150x1000xi32> to vector<150xi32>
      %broadcast_in_dim3A_205 = vector.shape_cast %reduce_min3A_204 : vector<150xi32> to vector<150x1xi32>
      %eq3A_206 = vector.broadcast %broadcast_in_dim3A_205 : vector<150x1xi32> to vector<150x1000xi32>
      %eq3A_207 = arith.cmpi eq, %iota3A, %eq3A_206 : vector<150x1000xi32>
      %convert_element_type3A_208 = arith.extui %eq3A_207 : vector<150x1000xi1> to vector<150x1000xi32>
      %convert_element_type3A_209 = arith.sitofp %convert_element_type3A_208 : vector<150x1000xi32> to vector<150x1000xf32>
      %mul3A_210 = arith.mulf %get3A_1, %convert_element_type3A_209 : vector<150x1000xf32>
      %reduce_sum3A_211 = arith.constant dense<0.000000e+00> : vector<150xf32>
      %reduce_sum3A_212 = vector.multi_reduction <add>, %mul3A_210, %reduce_sum3A_211 [1] : vector<150x1000xf32> to vector<150xf32>
      %broadcast_in_dim3A_213 = vector.shape_cast %reduce_sum3A_212 : vector<150xf32> to vector<150x1xf32>
      %mul3A_214 = arith.mulf %get3A_4, %convert_element_type3A_209 : vector<150x1000xf32>
      %reduce_sum3A_215 = arith.constant dense<0.000000e+00> : vector<150xf32>
      %reduce_sum3A_216 = vector.multi_reduction <add>, %mul3A_214, %reduce_sum3A_215 [1] : vector<150x1000xf32> to vector<150xf32>
      %broadcast_in_dim3A_217 = vector.shape_cast %reduce_sum3A_216 : vector<150xf32> to vector<150x1xf32>
      %mul3A_218 = arith.mulf %get3A_7, %convert_element_type3A_209 : vector<150x1000xf32>
      %reduce_sum3A_219 = arith.constant dense<0.000000e+00> : vector<150xf32>
      %reduce_sum3A_220 = vector.multi_reduction <add>, %mul3A_218, %reduce_sum3A_219 [1] : vector<150x1000xf32> to vector<150xf32>
      %broadcast_in_dim3A_221 = vector.shape_cast %reduce_sum3A_220 : vector<150xf32> to vector<150x1xf32>
      %mul3A_222 = arith.mulf %get3A_10, %convert_element_type3A_209 : vector<150x1000xf32>
      %reduce_sum3A_223 = arith.constant dense<0.000000e+00> : vector<150xf32>
      %reduce_sum3A_224 = vector.multi_reduction <add>, %mul3A_222, %reduce_sum3A_223 [1] : vector<150x1000xf32> to vector<150xf32>
      %broadcast_in_dim3A_225 = vector.shape_cast %reduce_sum3A_224 : vector<150xf32> to vector<150x1xf32>
      %min3A_226 = vector.broadcast %broadcast_in_dim3A_221 : vector<150x1xf32> to vector<150x1000xf32>
      %min3A_227 = arith.minimumf %min3A_226, %get3A_7 : vector<150x1000xf32>
      %max3A_228 = vector.broadcast %broadcast_in_dim3A_213 : vector<150x1xf32> to vector<150x1000xf32>
      %max3A_229 = arith.maximumf %max3A_228, %get3A_1 : vector<150x1000xf32>
      %sub3A_230 = arith.subf %min3A_227, %max3A_229 : vector<150x1000xf32>
      %max3A_231 = arith.constant 0.000000e+00 : f32
      %max3A_232 = vector.broadcast %max3A_231 : f32 to vector<150x1000xf32>
      %max3A_233 = arith.maximumf %sub3A_230, %max3A_232 : vector<150x1000xf32>
      %min3A_234 = vector.broadcast %broadcast_in_dim3A_225 : vector<150x1xf32> to vector<150x1000xf32>
      %min3A_235 = arith.minimumf %min3A_234, %get3A_10 : vector<150x1000xf32>
      %max3A_236 = vector.broadcast %broadcast_in_dim3A_217 : vector<150x1xf32> to vector<150x1000xf32>
      %max3A_237 = arith.maximumf %max3A_236, %get3A_4 : vector<150x1000xf32>
      %sub3A_238 = arith.subf %min3A_235, %max3A_237 : vector<150x1000xf32>
      %max3A_239 = arith.constant 0.000000e+00 : f32
      %max3A_240 = vector.broadcast %max3A_239 : f32 to vector<150x1000xf32>
      %max3A_241 = arith.maximumf %sub3A_238, %max3A_240 : vector<150x1000xf32>
      %mul3A_242 = arith.mulf %max3A_233, %max3A_241 : vector<150x1000xf32>
      %sub3A_243 = arith.subf %broadcast_in_dim3A_221, %broadcast_in_dim3A_213 : vector<150x1xf32>
      %max3A_244 = arith.constant 0.000000e+00 : f32
      %max3A_245 = vector.broadcast %max3A_244 : f32 to vector<150x1xf32>
      %max3A_246 = arith.maximumf %sub3A_243, %max3A_245 : vector<150x1xf32>
      %sub3A_247 = arith.subf %broadcast_in_dim3A_225, %broadcast_in_dim3A_217 : vector<150x1xf32>
      %max3A_248 = arith.constant 0.000000e+00 : f32
      %max3A_249 = vector.broadcast %max3A_248 : f32 to vector<150x1xf32>
      %max3A_250 = arith.maximumf %sub3A_247, %max3A_249 : vector<150x1xf32>
      %mul3A_251 = arith.mulf %max3A_246, %max3A_250 : vector<150x1xf32>
      %add3A_252 = vector.broadcast %mul3A_251 : vector<150x1xf32> to vector<150x1000xf32>
      %add3A_253 = arith.addf %add3A_252, %mul3A : vector<150x1000xf32>
      %sub3A_254 = arith.subf %add3A_253, %mul3A_242 : vector<150x1000xf32>
      %add3A_255 = arith.constant 9.99999971E-10 : f32
      %add3A_256 = vector.broadcast %add3A_255 : f32 to vector<150x1000xf32>
      %add3A_257 = arith.addf %sub3A_254, %add3A_256 : vector<150x1000xf32>
      %div3A_258 = arith.divf %mul3A_242, %add3A_257 : vector<150x1000xf32>
      %gt3A_259 = arith.constant 3.000000e-01 : f32
      %gt3A_260 = vector.broadcast %gt3A_259 : f32 to vector<150x1000xf32>
      %gt3A_261 = arith.cmpf ogt, %div3A_258, %gt3A_260 : vector<150x1000xf32>
      %or3A_262 = arith.ori %gt3A_261, %eq3A_207 : vector<150x1000xi1>
      %reduce_max3A_263 = vector.shape_cast %broadcast_in_dim3A_194 : vector<150x1xf32> to vector<1x150x1xf32>
      %reduce_max3A_264 = arith.constant dense<0xFF800000> : vector<1xf32>
      %reduce_max3A_265 = vector.multi_reduction <maximumf>, %reduce_max3A_263, %reduce_max3A_264 [1, 2] : vector<1x150x1xf32> to vector<1xf32>
      %reduce_max3A_266 = vector.shape_cast %reduce_max3A_265 : vector<1xf32> to vector<1x1x1xf32>
      %reduce_max3A_267 = vector.extract %reduce_max3A_266[0, 0, 0] : f32 from vector<1x1x1xf32>
      %eq3A_268 = arith.cmpf oeq, %reduce_max3A_267, %while3A : f32
      %broadcast_in_dim3A_269 = vector.broadcast %while3A : f32 to vector<150x1000xf32>
      %select_n3A_270 = arith.select %or3A_262, %broadcast_in_dim3A_269, %select_n3A_189 : vector<150x1000xi1>, vector<150x1000xf32>
      %mul3A_271 = arith.mulf %convert_element_type3A_209, %get3A_13 : vector<150x1000xf32>
      %add3A_272 = arith.addf %add3A_191, %mul3A_271 : vector<150x1000xf32>
      %reduce_max3A_273 = arith.constant dense<0xFF800000> : vector<150xf32>
      %reduce_max3A_274 = vector.multi_reduction <maximumf>, %select_n3A_270, %reduce_max3A_273 [1] : vector<150x1000xf32> to vector<150xf32>
      %broadcast_in_dim3A_275 = vector.shape_cast %reduce_max3A_274 : vector<150xf32> to vector<150x1xf32>
      %eq3A_276 = vector.broadcast %broadcast_in_dim3A_275 : vector<150x1xf32> to vector<150x1000xf32>
      %eq3A_277 = arith.cmpf oeq, %select_n3A_270, %eq3A_276 : vector<150x1000xf32>
      %gt3A_278 = vector.broadcast %while3A : f32 to vector<150x1000xf32>
      %gt3A_279 = arith.cmpf ogt, %select_n3A_270, %gt3A_278 : vector<150x1000xf32>
      %and3A_280 = arith.andi %eq3A_277, %gt3A_279 : vector<150x1000xi1>
      %jit3A_281 = arith.constant 1000 : i32
      %broadcast_in_dim3A_282 = vector.broadcast %jit3A_281 : i32 to vector<150x1000xi32>
      %select_n3A_283 = arith.select %and3A_280, %iota3A, %broadcast_in_dim3A_282 : vector<150x1000xi1>, vector<150x1000xi32>
      %reduce_min3A_284 = arith.constant dense<2147483647> : vector<150xi32>
      %reduce_min3A_285 = vector.multi_reduction <minsi>, %select_n3A_283, %reduce_min3A_284 [1] : vector<150x1000xi32> to vector<150xi32>
      %broadcast_in_dim3A_286 = vector.shape_cast %reduce_min3A_285 : vector<150xi32> to vector<150x1xi32>
      %eq3A_287 = vector.broadcast %broadcast_in_dim3A_286 : vector<150x1xi32> to vector<150x1000xi32>
      %eq3A_288 = arith.cmpi eq, %iota3A, %eq3A_287 : vector<150x1000xi32>
      %convert_element_type3A_289 = arith.extui %eq3A_288 : vector<150x1000xi1> to vector<150x1000xi32>
      %convert_element_type3A_290 = arith.sitofp %convert_element_type3A_289 : vector<150x1000xi32> to vector<150x1000xf32>
      %mul3A_291 = arith.mulf %get3A_1, %convert_element_type3A_290 : vector<150x1000xf32>
      %reduce_sum3A_292 = arith.constant dense<0.000000e+00> : vector<150xf32>
      %reduce_sum3A_293 = vector.multi_reduction <add>, %mul3A_291, %reduce_sum3A_292 [1] : vector<150x1000xf32> to vector<150xf32>
      %broadcast_in_dim3A_294 = vector.shape_cast %reduce_sum3A_293 : vector<150xf32> to vector<150x1xf32>
      %mul3A_295 = arith.mulf %get3A_4, %convert_element_type3A_290 : vector<150x1000xf32>
      %reduce_sum3A_296 = arith.constant dense<0.000000e+00> : vector<150xf32>
      %reduce_sum3A_297 = vector.multi_reduction <add>, %mul3A_295, %reduce_sum3A_296 [1] : vector<150x1000xf32> to vector<150xf32>
      %broadcast_in_dim3A_298 = vector.shape_cast %reduce_sum3A_297 : vector<150xf32> to vector<150x1xf32>
      %mul3A_299 = arith.mulf %get3A_7, %convert_element_type3A_290 : vector<150x1000xf32>
      %reduce_sum3A_300 = arith.constant dense<0.000000e+00> : vector<150xf32>
      %reduce_sum3A_301 = vector.multi_reduction <add>, %mul3A_299, %reduce_sum3A_300 [1] : vector<150x1000xf32> to vector<150xf32>
      %broadcast_in_dim3A_302 = vector.shape_cast %reduce_sum3A_301 : vector<150xf32> to vector<150x1xf32>
      %mul3A_303 = arith.mulf %get3A_10, %convert_element_type3A_290 : vector<150x1000xf32>
      %reduce_sum3A_304 = arith.constant dense<0.000000e+00> : vector<150xf32>
      %reduce_sum3A_305 = vector.multi_reduction <add>, %mul3A_303, %reduce_sum3A_304 [1] : vector<150x1000xf32> to vector<150xf32>
      %broadcast_in_dim3A_306 = vector.shape_cast %reduce_sum3A_305 : vector<150xf32> to vector<150x1xf32>
      %min3A_307 = vector.broadcast %broadcast_in_dim3A_302 : vector<150x1xf32> to vector<150x1000xf32>
      %min3A_308 = arith.minimumf %min3A_307, %get3A_7 : vector<150x1000xf32>
      %max3A_309 = vector.broadcast %broadcast_in_dim3A_294 : vector<150x1xf32> to vector<150x1000xf32>
      %max3A_310 = arith.maximumf %max3A_309, %get3A_1 : vector<150x1000xf32>
      %sub3A_311 = arith.subf %min3A_308, %max3A_310 : vector<150x1000xf32>
      %max3A_312 = arith.constant 0.000000e+00 : f32
      %max3A_313 = vector.broadcast %max3A_312 : f32 to vector<150x1000xf32>
      %max3A_314 = arith.maximumf %sub3A_311, %max3A_313 : vector<150x1000xf32>
      %min3A_315 = vector.broadcast %broadcast_in_dim3A_306 : vector<150x1xf32> to vector<150x1000xf32>
      %min3A_316 = arith.minimumf %min3A_315, %get3A_10 : vector<150x1000xf32>
      %max3A_317 = vector.broadcast %broadcast_in_dim3A_298 : vector<150x1xf32> to vector<150x1000xf32>
      %max3A_318 = arith.maximumf %max3A_317, %get3A_4 : vector<150x1000xf32>
      %sub3A_319 = arith.subf %min3A_316, %max3A_318 : vector<150x1000xf32>
      %max3A_320 = arith.constant 0.000000e+00 : f32
      %max3A_321 = vector.broadcast %max3A_320 : f32 to vector<150x1000xf32>
      %max3A_322 = arith.maximumf %sub3A_319, %max3A_321 : vector<150x1000xf32>
      %mul3A_323 = arith.mulf %max3A_314, %max3A_322 : vector<150x1000xf32>
      %sub3A_324 = arith.subf %broadcast_in_dim3A_302, %broadcast_in_dim3A_294 : vector<150x1xf32>
      %max3A_325 = arith.constant 0.000000e+00 : f32
      %max3A_326 = vector.broadcast %max3A_325 : f32 to vector<150x1xf32>
      %max3A_327 = arith.maximumf %sub3A_324, %max3A_326 : vector<150x1xf32>
      %sub3A_328 = arith.subf %broadcast_in_dim3A_306, %broadcast_in_dim3A_298 : vector<150x1xf32>
      %max3A_329 = arith.constant 0.000000e+00 : f32
      %max3A_330 = vector.broadcast %max3A_329 : f32 to vector<150x1xf32>
      %max3A_331 = arith.maximumf %sub3A_328, %max3A_330 : vector<150x1xf32>
      %mul3A_332 = arith.mulf %max3A_327, %max3A_331 : vector<150x1xf32>
      %add3A_333 = vector.broadcast %mul3A_332 : vector<150x1xf32> to vector<150x1000xf32>
      %add3A_334 = arith.addf %add3A_333, %mul3A : vector<150x1000xf32>
      %sub3A_335 = arith.subf %add3A_334, %mul3A_323 : vector<150x1000xf32>
      %add3A_336 = arith.constant 9.99999971E-10 : f32
      %add3A_337 = vector.broadcast %add3A_336 : f32 to vector<150x1000xf32>
      %add3A_338 = arith.addf %sub3A_335, %add3A_337 : vector<150x1000xf32>
      %div3A_339 = arith.divf %mul3A_323, %add3A_338 : vector<150x1000xf32>
      %gt3A_340 = arith.constant 3.000000e-01 : f32
      %gt3A_341 = vector.broadcast %gt3A_340 : f32 to vector<150x1000xf32>
      %gt3A_342 = arith.cmpf ogt, %div3A_339, %gt3A_341 : vector<150x1000xf32>
      %or3A_343 = arith.ori %gt3A_342, %eq3A_288 : vector<150x1000xi1>
      %reduce_max3A_344 = vector.shape_cast %broadcast_in_dim3A_275 : vector<150x1xf32> to vector<1x150x1xf32>
      %reduce_max3A_345 = arith.constant dense<0xFF800000> : vector<1xf32>
      %reduce_max3A_346 = vector.multi_reduction <maximumf>, %reduce_max3A_344, %reduce_max3A_345 [1, 2] : vector<1x150x1xf32> to vector<1xf32>
      %reduce_max3A_347 = vector.shape_cast %reduce_max3A_346 : vector<1xf32> to vector<1x1x1xf32>
      %reduce_max3A_348 = vector.extract %reduce_max3A_347[0, 0, 0] : f32 from vector<1x1x1xf32>
      %eq3A_349 = arith.cmpf oeq, %reduce_max3A_348, %while3A : f32
      %broadcast_in_dim3A_350 = vector.broadcast %while3A : f32 to vector<150x1000xf32>
      %select_n3A_351 = arith.select %or3A_343, %broadcast_in_dim3A_350, %select_n3A_270 : vector<150x1000xi1>, vector<150x1000xf32>
      %mul3A_352 = arith.mulf %convert_element_type3A_290, %get3A_13 : vector<150x1000xf32>
      %add3A_353 = arith.addf %add3A_272, %mul3A_352 : vector<150x1000xf32>
      scf.yield %select_n3A_351, %add3A_353, %eq3A_349 : vector<150x1000xf32>, vector<150x1000xf32>, i1
    }
    %reduce_max3A = arith.constant dense<0xFF800000> : vector<1000xf32>
    %reduce_max3A_23 = vector.multi_reduction <maximumf>, %while3A_22#1, %reduce_max3A [0] : vector<150x1000xf32> to vector<1000xf32>
    %broadcast_in_dim3A_24 = vector.shape_cast %reduce_max3A_23 : vector<1000xf32> to vector<1x1000xf32>
    %iota3A_25 = tpu.iota {dimensions = array<i32: 0>} : vector<150x1000xi32>
    %eq3A = vector.broadcast %broadcast_in_dim3A_24 : vector<1x1000xf32> to vector<150x1000xf32>
    %eq3A_26 = arith.cmpf oeq, %while3A_22#1, %eq3A : vector<150x1000xf32>
    %jit3A = arith.constant 151 : i32
    %broadcast_in_dim3A_27 = vector.broadcast %jit3A : i32 to vector<150x1000xi32>
    %select_n3A = arith.select %eq3A_26, %iota3A_25, %broadcast_in_dim3A_27 : vector<150x1000xi1>, vector<150x1000xi32>
    %reduce_min3A = arith.constant dense<2147483647> : vector<1000xi32>
    %reduce_min3A_28 = vector.multi_reduction <minsi>, %select_n3A, %reduce_min3A [0] : vector<150x1000xi32> to vector<1000xi32>
    %broadcast_in_dim3A_29 = vector.shape_cast %reduce_min3A_28 : vector<1000xi32> to vector<1x1000xi32>
    %add3A = arith.constant 1 : i32
    %add3A_30 = vector.broadcast %add3A : i32 to vector<1x1000xi32>
    %add3A_31 = arith.addi %broadcast_in_dim3A_29, %add3A_30 : vector<1x1000xi32>
    %swap3A = arith.constant 0 : index
    %swap3A_32 = arith.constant 0 : index
    %swap3A_33 = vector.load %arg5[%swap3A, %swap3A_32] : memref<1x1000xi32, #tpu.memory_space<vmem>>, vector<1x1000xi32>
    tpu.vector_store %arg5[%swap3A, %swap3A_32], %add3A_31 {strides = array<i32>} : memref<1x1000xi32, #tpu.memory_space<vmem>>, vector<1x1000xi32>,
    return
  }
}

module attributes {stable_mosaic.version = 14 : i64} {
  func.func @_rel_kernel(%arg0: i32, %arg1: memref<1000x512xf32, #tpu.memory_space<vmem>>, %arg2: memref<1000x512xf32, #tpu.memory_space<vmem>>, %arg3: memref<1000x51xf32, #tpu.memory_space<vmem>>, %arg4: memref<1000x51xf32, #tpu.memory_space<vmem>>, %arg5: memref<1000x512xf32, #tpu.memory_space<vmem>>, %arg6: memref<512x51xf32, #tpu.memory_space<vmem>>, %arg7: memref<1x51xf32, #tpu.memory_space<vmem>>, %arg8: memref<1000x51xf32, #tpu.memory_space<vmem>>, %arg9: memref<1000x51xf32, #tpu.memory_space<vmem>>) attributes {dimension_semantics = [#tpu.dimension_semantics<arbitrary>], iteration_bounds = array<i64: 4>, scalar_prefetch = 0 : i64, scratch_operands = 0 : i64, tpu.core_type = #tpu.core_type<tc>, window_params = [{transform_indices = @transform_0, window_bounds = array<i64: 1000, 512>}, {transform_indices = @transform_1, window_bounds = array<i64: 1000, 512>}, {transform_indices = @transform_2, window_bounds = array<i64: 1000, 51>}, {transform_indices = @transform_3, window_bounds = array<i64: 1000, 51>}, {transform_indices = @transform_4, window_bounds = array<i64: 1000, 512>}, {pipeline_mode = #tpu.pipeline_mode<synchronous>, transform_indices = @transform_5, window_bounds = array<i64: 512, 51>}, {pipeline_mode = #tpu.pipeline_mode<synchronous>, transform_indices = @transform_6, window_bounds = array<i64: 1, 51>}, {transform_indices = @transform_7, window_bounds = array<i64: 1000, 51>}, {transform_indices = @transform_8, window_bounds = array<i64: 1000, 51>}]} {
    %get3A = arith.constant 0 : index
    %get3A_0 = arith.constant 0 : index
    %get3A_1 = vector.load %arg1[%get3A, %get3A_0] : memref<1000x512xf32, #tpu.memory_space<vmem>>, vector<1000x512xf32>
    %get3A_2 = arith.constant 0 : index
    %get3A_3 = arith.constant 0 : index
    %get3A_4 = vector.load %arg2[%get3A_2, %get3A_3] : memref<1000x512xf32, #tpu.memory_space<vmem>>, vector<1000x512xf32>
    %mul3A = arith.mulf %get3A_1, %get3A_4 : vector<1000x512xf32>
    %get3A_5 = arith.constant 0 : index
    %get3A_6 = arith.constant 0 : index
    %get3A_7 = vector.load %arg5[%get3A_5, %get3A_6] : memref<1000x512xf32, #tpu.memory_space<vmem>>, vector<1000x512xf32>
    %add3A = arith.addf %mul3A, %get3A_7 : vector<1000x512xf32>
    %get3A_8 = arith.constant 0 : index
    %get3A_9 = arith.constant 0 : index
    %get3A_10 = vector.load %arg6[%get3A_8, %get3A_9] : memref<512x51xf32, #tpu.memory_space<vmem>>, vector<512x51xf32>
    %dot_general3A = arith.constant dense<0.000000e+00> : vector<1000x51xf32>
    %dot_general3A_11 = tpu.matmul %add3A, %get3A_10, %dot_general3A {dimension_numbers = #tpu.dot_dimension_numbers<[1], [0], [0], [1], [0, 0, 1, 1], [], []>, transpose_lhs_hint = false} : vector<1000x512xf32>, vector<512x51xf32>, vector<1000x51xf32> -> vector<1000x51xf32>
    %get3A_12 = arith.constant 0 : index
    %get3A_13 = arith.constant 0 : index
    %get3A_14 = vector.load %arg7[%get3A_12, %get3A_13] : memref<1x51xf32, #tpu.memory_space<vmem>>, vector<1x51xf32>
    %add3A_15 = vector.broadcast %get3A_14 : vector<1x51xf32> to vector<1000x51xf32>
    %add3A_16 = arith.addf %dot_general3A_11, %add3A_15 : vector<1000x51xf32>
    %get3A_17 = arith.constant 0 : index
    %get3A_18 = arith.constant 0 : index
    %get3A_19 = vector.load %arg3[%get3A_17, %get3A_18] : memref<1000x51xf32, #tpu.memory_space<vmem>>, vector<1000x51xf32>
    %get3A_20 = arith.constant 0 : index
    %get3A_21 = arith.constant 0 : index
    %get3A_22 = vector.load %arg4[%get3A_20, %get3A_21] : memref<1000x51xf32, #tpu.memory_space<vmem>>, vector<1000x51xf32>
    %add3A_23 = arith.addf %get3A_19, %get3A_22 : vector<1000x51xf32>
    %add3A_24 = arith.addf %add3A_16, %add3A_23 : vector<1000x51xf32>
    %swap3A = arith.constant 0 : index
    %swap3A_25 = arith.constant 0 : index
    %swap3A_26 = vector.load %arg8[%swap3A, %swap3A_25] : memref<1000x51xf32, #tpu.memory_space<vmem>>, vector<1000x51xf32>
    tpu.vector_store %arg8[%swap3A, %swap3A_25], %add3A_24 {strides = array<i32>} : memref<1000x51xf32, #tpu.memory_space<vmem>>, vector<1000x51xf32>,
    %reduce_max3A = arith.constant dense<0xFF800000> : vector<1000xf32>
    %reduce_max3A_27 = vector.multi_reduction <maximumf>, %add3A_24, %reduce_max3A [1] : vector<1000x51xf32> to vector<1000xf32>
    %broadcast_in_dim3A = vector.shape_cast %reduce_max3A_27 : vector<1000xf32> to vector<1000x1xf32>
    %sub3A = vector.broadcast %broadcast_in_dim3A : vector<1000x1xf32> to vector<1000x51xf32>
    %sub3A_28 = arith.subf %add3A_24, %sub3A : vector<1000x51xf32>
    %exp3A = math.exp %sub3A_28 : vector<1000x51xf32>
    %reduce_sum3A = arith.constant dense<0.000000e+00> : vector<1000xf32>
    %reduce_sum3A_29 = vector.multi_reduction <add>, %exp3A, %reduce_sum3A [1] : vector<1000x51xf32> to vector<1000xf32>
    %broadcast_in_dim3A_30 = vector.shape_cast %reduce_sum3A_29 : vector<1000xf32> to vector<1000x1xf32>
    %div3A = vector.broadcast %broadcast_in_dim3A_30 : vector<1000x1xf32> to vector<1000x51xf32>
    %div3A_31 = arith.divf %exp3A, %div3A : vector<1000x51xf32>
    %swap3A_32 = arith.constant 0 : index
    %swap3A_33 = arith.constant 0 : index
    %swap3A_34 = vector.load %arg9[%swap3A_32, %swap3A_33] : memref<1000x51xf32, #tpu.memory_space<vmem>>, vector<1000x51xf32>
    tpu.vector_store %arg9[%swap3A_32, %swap3A_33], %div3A_31 {strides = array<i32>} : memref<1000x51xf32, #tpu.memory_space<vmem>>, vector<1000x51xf32>,
    return
  }
  func.func @transform_0(%arg0: i32) -> (i32, i32) {
    %c0_i32 = arith.constant 0 : i32
    %c0_i32_0 = arith.constant 0 : i32
    return %arg0, %c0_i32 : i32, i32
  }
  func.func @transform_1(%arg0: i32) -> (i32, i32) {
    %c0_i32 = arith.constant 0 : i32
    %c0_i32_0 = arith.constant 0 : i32
    return %arg0, %c0_i32 : i32, i32
  }
  func.func @transform_2(%arg0: i32) -> (i32, i32) {
    %c0_i32 = arith.constant 0 : i32
    %c0_i32_0 = arith.constant 0 : i32
    return %arg0, %c0_i32 : i32, i32
  }
  func.func @transform_3(%arg0: i32) -> (i32, i32) {
    %c0_i32 = arith.constant 0 : i32
    %c0_i32_0 = arith.constant 0 : i32
    return %arg0, %c0_i32 : i32, i32
  }
  func.func @transform_4(%arg0: i32) -> (i32, i32) {
    %c0_i32 = arith.constant 0 : i32
    %c0_i32_0 = arith.constant 0 : i32
    return %arg0, %c0_i32 : i32, i32
  }
  func.func @transform_5(%arg0: i32) -> (i32, i32) {
    %c0_i32 = arith.constant 0 : i32
    %c0_i32_0 = arith.constant 0 : i32
    %c0_i32_1 = arith.constant 0 : i32
    return %c0_i32, %c0_i32_0 : i32, i32
  }
  func.func @transform_6(%arg0: i32) -> (i32, i32) {
    %c0_i32 = arith.constant 0 : i32
    %c0_i32_0 = arith.constant 0 : i32
    %c0_i32_1 = arith.constant 0 : i32
    return %c0_i32, %c0_i32_0 : i32, i32
  }
  func.func @transform_7(%arg0: i32) -> (i32, i32) {
    %c0_i32 = arith.constant 0 : i32
    %c0_i32_0 = arith.constant 0 : i32
    return %arg0, %c0_i32 : i32, i32
  }
  func.func @transform_8(%arg0: i32) -> (i32, i32) {
    %c0_i32 = arith.constant 0 : i32
    %c0_i32_0 = arith.constant 0 : i32
    return %arg0, %c0_i32 : i32, i32
  }
}

</mosaic_0001>

<sc_bundles>
// kernel: kernel.8.cloned.1.call-start
scs
__scs_entry_jumppad:
0x0: {  	(pc) =	sbr.rel $0x88, $3  }
0x1: {  	(tag) =	ssettag $0x0;
	lr =	simm.s32 $0x1  }
0x2: {  	[smem:$0x3F95] =	sst lr;
	_ =	strace $0xD0000000  }
0x3: {  	_ = 	snop  }
0x4: {  	_ = 	snop  }
0x5: {  	_ = 	snop  }
0x6: {  	_ = 	snop  }
0x7: {  	_ = 	snop  }
__scs_overlays_trampoline_lowered:
0x8: {  	[smem:$0x3FA4] =	sst s0  }
0x9: {  	[smem:$0x3FA5] =	sst s1  }
0xa: {  	[smem:$0x3FA6] =	sst s2  }
0xb: {  	[smem:$0x3FA7] =	sst s3  }
0xc: {  	[smem:$0x3FA8] =	sst s4  }
0xd: {  	[smem:$0x3FA9] =	sst s5  }
0xe: {  	[smem:$0x3FAA] =	sst s6  }
0xf: {  	[smem:$0x3FAB] =	sst s7  }
0x10: {  	[smem:$0x3FAC] =	sst s8  }
0x11: {  	[smem:$0x3FAD] =	sst s9;
	s0 =	simm.s32 @!p0 $0x0  }
0x12: {  	s1 =	sld [smem:$0x3F93];
	s0 =	simm.s32 @p0 $0x1  }
0x13: {  	[smem:$0x3FAE] =	sst s0;
	s0 =	simm.s32 @!p1 $0x0  }
0x14: {  	s2 =	sld [smem:$0x3F92];
	s0 =	simm.s32 @p1 $0x1  }
0x15: {  	[smem:$0x3FAF] =	sst s0;
	s0 =	simm.s32 @!p2 $0x0  }
0x16: {  	s3 =	sld [smem:$0x3FDB];
	s0 =	simm.s32 @p2 $0x1  }
0x17: {  	s4 =	simm.s32 $0x1BF5;
	[smem:$0x3FB1] =	sst s0  }
0x18: {  	s0 =	sld [smem:$0x3F94];
	_ =	swait.ge [sflag:s4], $0x0  }
0x19: {  	s7 =	sld [smem:$0x3F95]  }
0x1a: {  	s8 =	sadd.s32 $0xFFFFE003, lr  }
0x1b: {  	s9 =	sadd.s32 $0xFFFFFEF7, lr;
	s5 =	simm.s32 $0xFFFFFFFF;
	p2 =	slt.u32 s8, $0xFFFFF086  }
0x1c: {  	p1 =	slt.u32 s9, $0xF7A;
	s5 =	simm.s32 @!p2 $0x0  }
0x1d: {  	s5 =	simm.s32 @p1 $0x1;
	p0 =	seq.s32 s7, s2  }
0x1e: {  	s7 =	smul.u32 @!p0 $0xF7A, s2;
	p2 =	seq.s32 @!p0 s5, $0x0  }
0x1f: {  	s9 =	smul.u32 $0xF7A, s1;
	s8 =	simm.s32 @!p0 $0x1BF5;
	p2 =	por !p2, p0  }
0x20: {  	[sflag:s8] =	ssyncset.s32 @!p0 $0xFFFFF086;
	s6 =	sadd.s32 @!p0 s3, s7;
	s7 =	simm.s32 @!p0 $0x108  }
0x21: {  	s3 =	sadd.s32 s3, s9;
	s6 =	sadd.s32 @!p0 $0x88, s6;
	s7 =	simm.s32 @p2 $0x1082  }
0x22: {  	[simem:s7], [sflag:s8] =	dma.local @!p0 [hbm:s6], $0xF7A  }
0x23: {  	s9 =	sor.u32 $0xD0000000, s2;
	s6 =	simm.s32 $0x108;
	_ =	swait.ge @!p0 [sflag:s8], $0x0  }
0x24: {  	s3 =	sadd.s32 $0x88, s3;
	s6 =	simm.s32 @!p1 $0x1082;
	[sflag:s4] =	ssyncset.s32 $0xFFFFF086  }
0x25: {  	[simem:s6], [sflag:s4] =	dma.local [hbm:s3], $0xF7A  }
0x26: {  	[smem:$0x3F95] =	sst s1;
	(tag) =	ssettag s2;
	_ =	strace s9  }
0x27: {  	s1 =	sld [smem:$0x3FA5]  }
0x28: {  	s2 =	sld [smem:$0x3FA6]  }
0x29: {  	s4 =	sld [smem:$0x3FA8]  }
0x2a: {  	p0 =	seq.s32 s5, $0x0;
	s5 =	sld [smem:$0x3FA9]  }
0x2b: {  	s6 =	sld [smem:$0x3FAA]  }
0x2c: {  	s7 =	sld [smem:$0x3FAB]  }
0x2d: {  	s3 =	simm.s32 $0x108;
	s8 =	sld [smem:$0x3FAC]  }
0x2e: {  	s3 =	simm.s32 @!p0 $0x1082;
	s9 =	sld [smem:$0x3FAD]  }
0x2f: {  	lr =	sadd.s32 s0, s3;
	s0 =	sld [smem:$0x3FA4]  }
0x30: {  	s3 =	sld [smem:$0x3FA7]  }
0x31: {  	[smem:$0x3FB0] =	sst s10  }
0x32: {  	s10 =	sld [smem:$0x3FAE];
	_ =	sdelay $0x3  }
0x33: {  	p0 =	seq.s32 s10, $0x1;
	s10 =	sld [smem:$0x3FB0];
	_ =	sdelay $0x3  }
0x34: {  	[smem:$0x3FB0] =	sst s10  }
0x35: {  	s10 =	sld [smem:$0x3FAF];
	_ =	sdelay $0x3  }
0x36: {  	p1 =	seq.s32 s10, $0x1;
	s10 =	sld [smem:$0x3FB0];
	_ =	sdelay $0x3  }
0x37: {  	[smem:$0x3FB0] =	sst s10  }
0x38: {  	s10 =	sld [smem:$0x3FB1]  }
0x39: {  	_ = 	snop;
	(pc) =	sbr.ind lr, $3  }
0x3a: {  	_ = 	snop  }
0x3b: {  	_ = 	snop  }
0x3c: {  	p2 =	seq.s32 s10, $0x1;
	s10 =	sld [smem:$0x3FB0]  }
0x3d: {  	_ =	shalt  }
0x3e: {  	_ =	shalt  }
0x3f: {  	_ =	shalt  }
0x40: {  	_ =	shalt  }
0x41: {  	_ =	shalt  }
0x42: {  	_ =	shalt  }
0x43: {  	_ =	shalt  }
0x44: {  	_ =	shalt  }
0x45: {  	_ =	shalt  }
0x46: {  	_ =	shalt  }
0x47: {  	_ =	shalt  }
0x48: {  	_ =	shalt  }
0x49: {  	_ =	shalt  }
0x4a: {  	_ =	shalt  }
0x4b: {  	_ =	shalt  }
0x4c: {  	_ =	shalt  }
0x4d: {  	_ =	shalt  }
0x4e: {  	_ =	shalt  }
0x4f: {  	_ =	shalt  }
0x50: {  	_ =	shalt  }
0x51: {  	_ =	shalt  }
0x52: {  	_ =	shalt  }
0x53: {  	_ =	shalt  }
0x54: {  	_ =	shalt  }
0x55: {  	_ =	shalt  }
0x56: {  	_ =	shalt  }
0x57: {  	_ =	shalt  }
0x58: {  	_ =	shalt  }
0x59: {  	_ =	shalt  }
0x5a: {  	_ =	shalt  }
0x5b: {  	_ =	shalt  }
0x5c: {  	_ =	shalt  }
0x5d: {  	_ =	shalt  }
0x5e: {  	_ =	shalt  }
0x5f: {  	_ =	shalt  }
0x60: {  	_ =	shalt  }
0x61: {  	_ =	shalt  }
0x62: {  	_ =	shalt  }
0x63: {  	_ =	shalt  }
0x64: {  	_ =	shalt  }
0x65: {  	_ =	shalt  }
0x66: {  	_ =	shalt  }
0x67: {  	_ =	shalt  }
0x68: {  	_ =	shalt  }
0x69: {  	_ =	shalt  }
0x6a: {  	_ =	shalt  }
0x6b: {  	_ =	shalt  }
0x6c: {  	_ =	shalt  }
0x6d: {  	_ =	shalt  }
0x6e: {  	_ =	shalt  }
0x6f: {  	_ =	shalt  }
0x70: {  	_ =	shalt  }
0x71: {  	_ =	shalt  }
0x72: {  	_ =	shalt  }
0x73: {  	_ =	shalt  }
0x74: {  	_ =	shalt  }
0x75: {  	_ =	shalt  }
0x76: {  	_ =	shalt  }
0x77: {  	_ =	shalt  }
0x78: {  	_ =	shalt  }
0x79: {  	_ =	shalt  }
0x7a: {  	_ =	shalt  }
0x7b: {  	_ =	shalt  }
0x7c: {  	_ =	shalt  }
0x7d: {  	_ =	shalt  }
0x7e: {  	_ =	shalt  }
0x7f: {  	_ =	shalt  }
0x80: {  	_ =	shalt  }
0x81: {  	_ =	shalt  }
0x82: {  	_ =	shalt  }
0x83: {  	_ =	shalt  }
0x84: {  	_ =	shalt  }
0x85: {  	_ =	shalt  }
0x86: {  	_ =	shalt  }
0x87: {  	_ =	shalt  }
.Lfunc_end0:
.L_simem_size_0:
called_computation_lowered:
.L_overlay_start_0:
0x88: {  	s2 =	sld [smem:$0x3FD9]  }
0x89: {  	s3 =	sld [smem:$0x3FFE];
	_ =	sdelay $0x1  }
0x8a: {  	s1 =	srdreg.scid  }
0x8b: {  	s0 =	sand.u32 $0x1, s1  }
0x8c: {  	s14 =	sshll.u32 s0, $0xA;
	s2 =	sadd.s32 s3, s2  }
0x8d: {  	s2 =	sadd.s32 s2, s14  }
0x8e: {  	[smem:$0x3FBC] =	sst s2  }
0x8f: {  	_ = 	snop  }
0x90: {  	s2 =	sld [smem:$0x3FD0];
	_ =	sdelay $0x2  }
0x91: {  	s15 =	simm.s32 $0xA;
	s4 =	simm.s32 $0x10  }
0x92: {  	[smem:s4], [sflag:s15] =	dma.local [hbm:s2], $0x1  }
0x93: {  	_ =	swait.eq [sflag:s15], $0x1  }
0x94: {  	[sflag:s15] =	ssyncset.done $0x0  }
0x95: {  	[sflag:s15] =	ssyncadd.s32 $0xFFFFFFFF  }
0x96: {  	s16 =	sld [smem:$0x10];
	(tm) =	ssettm $0x1  }
0x97: {  	s17 =	sld [smem:$0x3FFB];
	_ =	sdelay $0x3  }
0x98: {  	_ =	strace s17  }
0x99: {  	s3 =	sld [smem:$0x3FFC];
	_ =	sdelay $0x3  }
0x9a: {  	_ =	strace s3  }
0x9b: {  	s3 =	sld [smem:$0x3FFD];
	_ =	sdelay $0x3  }
0x9c: {  	_ =	strace s3  }
0x9d: {  	_ =	strace $0x8FFFFFFF  }
0x9e: {  	s18 =	sld [smem:$0x3FDB];
	_ =	sdelay $0x1  }
0x9f: {  	s19 =	simm.s32 $_scs_section_size  }
0xa0: {  	s5 =	simm.s32 $_size__tile_overlayer_lowered;
	s6 =	simm.s32 $_tile_overlayer_lowered  }
0xa1: {  	s22 =	simm.s32 $0x1BFF;
	s21 =	sshll.u32 s6, $0x1;
	s3 =	sadd.s32 s19, s18  }
0xa2: {  	s7 =	simm.s32 $0x0;
	s20 =	sshll.u32 s5, $0x1;
	s5 =	sadd.s32 s21, s3  }
0xa3: {  	[timem:s7], [sflag:s22] =	dma.local [hbm:s5], s20  }
0xa4: {  	_ =	swait.ge [sflag:s22], s20  }
0xa5: {  	s4 =	ssub.s32 $0x0, s20;
	[sflag:s22] =	ssyncset.done $0x0  }
0xa6: {  	[sflag:s22] =	ssyncadd.s32 s4;
	_ =	sdelay $0x1  }
0xa7: {  	s23 =	simm.s32 $0x1B8B  }
0xa8: {  	_ =	swait.ge [sflag:s23], $0x1  }
0xa9: {  	[sflag:s23] =	ssyncset.done $0x0  }
0xaa: {  	s25 =	simm.s32 $0x1B8E;
	s24 =	sld [smem:$0x3FFE];
	[sflag:s23] =	ssyncadd.s32 $0xFFFFFFFF  }
0xab: {  	s26 =	simm.s32 $execute0_lowered;
	[smem:$0x3FD2] =	sst s25  }
0xac: {  	s5 =	sshll.u32 s26, $0x1;
	_ =	strace $0x80000046;
	[dreg:$0x1] =	wrdreg $0xFFFFFFFF  }
0xad: {  	s28 =	simm.s32 $_size_execute0_lowered;
	s3 =	sadd.s32 s3, s5;
	[dreg:$0x0] =	wrdreg $0x0  }
0xae: {  	s5 =	sshll.u32 s28, $0x1;
	[dreg:$0x2] =	wrdreg s3  }
0xaf: {  	[dreg:$0x3] =	wrdreg s5  }
0xb0: {  	[dreg:$0x4] =	wrdreg $0xC0  }
0xb1: {  	_ =	task [dreg:s7], $0x5FFFF  }
0xb2: {  	[dreg:$0x1] =	wrdreg $0xFFFFFFFF  }
0xb3: {  	[dreg:$0x0] =	wrdreg $0x60  }
0xb4: {  	[dreg:$0x2] =	wrdreg s24  }
0xb5: {  	[dreg:$0x3] =	wrdreg s16  }
0xb6: {  	[dreg:$0x4] =	wrdreg $0x9  }
0xb7: {  	_ =	task.clear_ibuf [dreg:s7], $0x5FFFF;
	_ =	strace $0x90000046  }
0xb8: {  	s29 =	simm.s32 $0x9;
	_ =	strace $0x80000048  }
0xb9: {  	_ =	swait.ge [sflag:s29], $0x1  }
0xba: {  	[sflag:s29] =	ssyncadd.s32 $0xFFFFFFFF  }
0xbb: {  	_ =	strace $0x90000048  }
0xbc: {  	_ =	sfence  }
0xbd: {  	s30 =	sld [smem:$0x0];
	_ =	sdelay $0x2  }
0xbe: {  	s31 =	sshll.u32 s1, $0xD;
	s1 =	sshrl.u32 s1, $0x2  }
0xbf: {  	s3 =	sand.u32 $0x4000, s31;
	s1 =	sadd.s32 s1, s30  }
0xc0: {  	s0 =	sor.u32 s3, s0;
	s1 =	sshll.u32 s1, $0x11  }
0xc1: {  	s0 =	sor.u32 s1, s0  }
0xc2: {  	s0 =	sadd.s32 $0x8F2B, s0  }
0xc3: {  	[sflag:s0] =	ssyncadd.remote.s32 $0x1  }
0xc4: {  	_ =	sfence.sel $0xFFFF  }
0xc5: {  	[dreg:$0x0] =	wrdreg $0xFFFFFFFF;
	(pc) =	sbr.abs _section_cstart, $3  }
0xc6: {  	[dreg:$0x1] =	wrdreg $0xFFFFFFFF  }
0xc7: {  	_ =	task.clear_ibuf [dreg:s7], $0x2FFFF;
	_ =	strace $0x9FFFFFFF  }
0xc8: {  	(tm) =	ssettm $0x7FFFFFFF  }
0xc9: {  	_ =	shalt  }
tec
execute0_lowered:
.L_overlay_start_1:
0x0: {  	(tag) =	ssettag $0x1  }
0x1: {  	s0 =	rddreg [dreg:$0x0]  }
0x2: {  	s1 =	rddreg [dreg:$0x1];
	s3 =	srdreg.scid  }
0x3: {  	s2 =	simm.s32 $0x0;
	s5 =	stileid.u32;
	s10 =	simm.s32 $0x880  }
0x4: {  	s11 =	simm.s32 $0x1080;
	s12 =	simm.s32 $0x1480;
	s13 =	simm.s32 $0x1C80  }
0x5: {  	s14 =	simm.s32 $0x2480;
	s15 =	simm.s32 $0x2880;
	s16 =	simm.s32 $0x3080  }
0x6: {  	s17 =	simm.s32 $0x3880;
	s18 =	simm.s32 $0x3C80;
	s19 =	simm.s32 $0x4480  }
0x7: {  	s20 =	simm.s32 $0x4C80;
	s21 =	simm.s32 $0x5080;
	s28 =	simm.s32 $0x7880  }
0x8: {  	s29 =	simm.s32 $0x8080;
	s30 =	simm.s32 $0x8880;
	s31 =	simm.s32 $0x8C80  }
0x9: {  	s4 =	sand.u32 $0x1, s3;
	[smem:$0x7FF] =	sst s2;
	s22 =	sshll.u32 s5, $0x6  }
0xa: {  	s3 =	sadd.s32 $0x2800, s0;
	s6 =	sadd.s32 $0x16200, s0;
	s23 =	sshll.u32 s4, $0x5  }
0xb: {  	_ =	strace $0x80000047;
	s4 =	ssub.s32 $0x2, s4;
	s5 =	sor.u32 s23, s22  }
0xc: {  	s9 =	sshrl.u32 s4, $0x1;
	s22 =	simm.s32 $0x5880;
	s23 =	simm.s32 $0x6080  }
0xd: {  	s7 =	smul.u32 $0x280, s5;
	s8 =	sadd.s32 s1, s5;
	s5 =	sor.u32 $0x10, s5  }
0xe: {  	s25 =	ssub.s32 s4, s9;
	s4 =	sadd.s32 $0x2900, s0;
	[dreg:$0x3] =	wrdreg s8  }
0xf: {  	s24 =	smul.u32 $0x280, s5;
	s1 =	sadd.s32 s1, s5;
	s5 =	sadd.s32 $0x2A00, s0  }
0x10: {  	s8 =	simm.s32 $0x9C80;
	s7 =	sadd.s32 s6, s7;
	[dreg:$0x5] =	wrdreg s1  }
0x11: {  	v2 =	vlaneseq.u32;
	s1 =	simm.s32 $0x1;
	[dreg:$0x4] =	wrdreg s7;
	s26 =	sadd.s32 s6, s24  }
0x12: {  	vm0 =	vmmov $0xffff;
	vm1 =	vmmov $0xff;
	v1 =	vshrl.u32 v2, $0x3;
	s6 =	smax.u32 s25, $0x1;
	s7 =	simm.s32 $0x2;
	s24 =	simm.s32 $0x6480  }
0x13: {  	v0 =	vand.u32 $0x7, v2;
	v2 =	vor.u32 $0x8, v2;
	v1 =	vmul.u32 $0x8, v1;
	s25 =	simm.s32 $0x6C80;
	[dreg:$0x6] =	wrdreg s26;
	s26 =	simm.s32 $0x7480  }
.LBB2_1:
0x14: {  	s9 =	rddreg [dreg:$0x3]  }
0x15: {  	[tilespmem:s2], [sflag:$0x2] =	stream.linear.gather [hbm4b:s9+s2], $0x80, $0x38;
	[tilespmem:$0x14080] =	vst v63  }
0x16: {  	_ =	swait.ge [sflag:s7], $0x80  }
0x17: {  	[sflag:s7] =	ssyncset.done $0x0  }
0x18: {  	[sflag:s7] =	ssyncadd.s32 $0xFFFFFF80  }
0x19: {  	v3 =	vld [tilespmem:$0x0];
	_ =	sdelay $0x4  }
0x1a: {  	v4 =	vshrl.u32 v3, $0x3  }
0x1b: {  	v4 =	vmul.u32 $0x28, v4  }
0x1c: {  	v3 =	vand.u32 $0x7, v3  }
0x1d: {  	v3 =	vor.u32 v3, v4  }
0x1e: {  	v4 =	vperm.xlane v3, v0;
	_ =	sdelay $0x1  }
0x1f: {  	v4 =	vadd.s32 v1, v4;
	_ =	sdelay $0x3  }
0x20: {  	s0 =	simm.s32 $0x80;
	v3 =	vperm.xlane v3, v2  }
0x21: {  	[tilespmem:s0], [sflag:$0x1] =	stream.indirect_vreg.gather [hbm4b:s3+s2], $0x80, v4, vm0, $0xb8;
	[tilespmem:$0x14080] =	vst v63  }
0x22: {  	v3 =	vadd.s32 v1, v3  }
0x23: {  	[tilespmem:s10], [sflag:$0x1] =	stream.indirect_vreg.gather [hbm4b:s4+s2], $0x80, v4, vm0, $0xb8;
	[tilespmem:$0x14080] =	vst v63  }
0x24: {  	_ = 	snop  }
0x25: {  	[tilespmem:s11], [sflag:$0x1] =	stream.indirect_vreg.gather [hbm4b:s5+s2], $0x80, v4, vm1, $0xb8;
	[tilespmem:$0x14080] =	vst v63  }
0x26: {  	_ = 	snop  }
0x27: {  	[tilespmem:s12], [sflag:$0x1] =	stream.indirect_vreg.gather [hbm4b:s3+s2], $0x80, v3, vm0, $0xb8;
	[tilespmem:$0x14080] =	vst v63  }
0x28: {  	_ = 	snop  }
0x29: {  	[tilespmem:s13], [sflag:$0x1] =	stream.indirect_vreg.gather [hbm4b:s4+s2], $0x80, v3, vm0, $0xb8;
	[tilespmem:$0x14080] =	vst v63  }
0x2a: {  	_ = 	snop  }
0x2b: {  	[tilespmem:s14], [sflag:$0x1] =	stream.indirect_vreg.gather [hbm4b:s5+s2], $0x80, v3, vm1, $0xb8;
	[tilespmem:$0x14080] =	vst v63  }
0x2c: {  	v3 =	vld [tilespmem:$0x10];
	_ =	sdelay $0x4  }
0x2d: {  	v49 =	vshrl.u32 v3, $0x3  }
0x2e: {  	v4 =	vmul.u32 $0x28, v49  }
0x2f: {  	v3 =	vand.u32 $0x7, v3  }
0x30: {  	v3 =	vor.u32 v3, v4  }
0x31: {  	v4 =	vperm.xlane v3, v0;
	_ =	sdelay $0x1  }
0x32: {  	v4 =	vadd.s32 v1, v4;
	_ =	sdelay $0x3  }
0x33: {  	v3 =	vperm.xlane v3, v2  }
0x34: {  	[tilespmem:s15], [sflag:$0x1] =	stream.indirect_vreg.gather [hbm4b:s3+s2], $0x80, v4, vm0, $0xb8;
	[tilespmem:$0x14080] =	vst v63  }
0x35: {  	v3 =	vadd.s32 v1, v3  }
0x36: {  	[tilespmem:s16], [sflag:$0x1] =	stream.indirect_vreg.gather [hbm4b:s4+s2], $0x80, v4, vm0, $0xb8;
	[tilespmem:$0x14080] =	vst v63  }
0x37: {  	_ = 	snop  }
0x38: {  	[tilespmem:s17], [sflag:$0x1] =	stream.indirect_vreg.gather [hbm4b:s5+s2], $0x80, v4, vm1, $0xb8;
	[tilespmem:$0x14080] =	vst v63  }
0x39: {  	_ = 	snop  }
0x3a: {  	[tilespmem:s18], [sflag:$0x1] =	stream.indirect_vreg.gather [hbm4b:s3+s2], $0x80, v3, vm0, $0xb8;
	[tilespmem:$0x14080] =	vst v63  }
0x3b: {  	_ = 	snop  }
0x3c: {  	[tilespmem:s19], [sflag:$0x1] =	stream.indirect_vreg.gather [hbm4b:s4+s2], $0x80, v3, vm0, $0xb8;
	[tilespmem:$0x14080] =	vst v63  }
0x3d: {  	_ = 	snop  }
0x3e: {  	[tilespmem:s20], [sflag:$0x1] =	stream.indirect_vreg.gather [hbm4b:s5+s2], $0x80, v3, vm1, $0xb8;
	[tilespmem:$0x14080] =	vst v63  }
0x3f: {  	v3 =	vld [tilespmem:$0x20];
	_ =	sdelay $0x4  }
0x40: {  	v50 =	vshrl.u32 v3, $0x3  }
0x41: {  	v4 =	vmul.u32 $0x28, v50  }
0x42: {  	v3 =	vand.u32 $0x7, v3  }
0x43: {  	v3 =	vor.u32 v3, v4  }
0x44: {  	v4 =	vperm.xlane v3, v0;
	_ =	sdelay $0x1  }
0x45: {  	v4 =	vadd.s32 v1, v4;
	_ =	sdelay $0x3  }
0x46: {  	v3 =	vperm.xlane v3, v2  }
0x47: {  	[tilespmem:s21], [sflag:$0x1] =	stream.indirect_vreg.gather [hbm4b:s3+s2], $0x80, v4, vm0, $0xb8;
	[tilespmem:$0x14080] =	vst v63  }
0x48: {  	v3 =	vadd.s32 v1, v3  }
0x49: {  	[tilespmem:s22], [sflag:$0x1] =	stream.indirect_vreg.gather [hbm4b:s4+s2], $0x80, v4, vm0, $0xb8;
	[tilespmem:$0x14080] =	vst v63  }
0x4a: {  	_ = 	snop  }
0x4b: {  	[tilespmem:s23], [sflag:$0x1] =	stream.indirect_vreg.gather [hbm4b:s5+s2], $0x80, v4, vm1, $0xb8;
	[tilespmem:$0x14080] =	vst v63  }
0x4c: {  	_ = 	snop  }
0x4d: {  	[tilespmem:s24], [sflag:$0x1] =	stream.indirect_vreg.gather [hbm4b:s3+s2], $0x80, v3, vm0, $0xb8;
	[tilespmem:$0x14080] =	vst v63  }
0x4e: {  	_ = 	snop  }
0x4f: {  	[tilespmem:s25], [sflag:$0x1] =	stream.indirect_vreg.gather [hbm4b:s4+s2], $0x80, v3, vm0, $0xb8;
	[tilespmem:$0x14080] =	vst v63  }
0x50: {  	_ = 	snop  }
0x51: {  	[tilespmem:s26], [sflag:$0x1] =	stream.indirect_vreg.gather [hbm4b:s5+s2], $0x80, v3, vm1, $0xb8;
	[tilespmem:$0x14080] =	vst v63  }
0x52: {  	v3 =	vld [tilespmem:$0x30];
	_ =	sdelay $0x4  }
0x53: {  	v51 =	vshrl.u32 v3, $0x3  }
0x54: {  	v4 =	vmul.u32 $0x28, v51  }
0x55: {  	v3 =	vand.u32 $0x7, v3  }
0x56: {  	v3 =	vor.u32 v3, v4  }
0x57: {  	v4 =	vperm.xlane v3, v0;
	_ =	sdelay $0x1  }
0x58: {  	v4 =	vadd.s32 v1, v4;
	_ =	sdelay $0x3  }
0x59: {  	v3 =	vperm.xlane v3, v2  }
0x5a: {  	[tilespmem:s28], [sflag:$0x1] =	stream.indirect_vreg.gather [hbm4b:s3+s2], $0x80, v4, vm0, $0xb8;
	[tilespmem:$0x14080] =	vst v63  }
0x5b: {  	v3 =	vadd.s32 v1, v3  }
0x5c: {  	[tilespmem:s29], [sflag:$0x1] =	stream.indirect_vreg.gather [hbm4b:s4+s2], $0x80, v4, vm0, $0xb8;
	[tilespmem:$0x14080] =	vst v63  }
0x5d: {  	_ = 	snop  }
0x5e: {  	[tilespmem:s30], [sflag:$0x1] =	stream.indirect_vreg.gather [hbm4b:s5+s2], $0x80, v4, vm1, $0xb8;
	[tilespmem:$0x14080] =	vst v63  }
0x5f: {  	_ = 	snop  }
0x60: {  	[tilespmem:s31], [sflag:$0x1] =	stream.indirect_vreg.gather [hbm4b:s3+s2], $0x80, v3, vm0, $0xb8;
	[tilespmem:$0x14080] =	vst v63  }
0x61: {  	s9 =	simm.s32 $0x9480  }
0x62: {  	[tilespmem:s9], [sflag:$0x1] =	stream.indirect_vreg.gather [hbm4b:s4+s2], $0x80, v3, vm0, $0xb8;
	[tilespmem:$0x14080] =	vst v63  }
0x63: {  	_ = 	snop  }
0x64: {  	[tilespmem:s8], [sflag:$0x1] =	stream.indirect_vreg.gather [hbm4b:s5+s2], $0x80, v3, vm1, $0xb8;
	[tilespmem:$0x14080] =	vst v63  }
0x65: {  	v3 =	vld [tilespmem:$0x40];
	_ =	sdelay $0x4  }
0x66: {  	v52 =	vshrl.u32 v3, $0x3  }
0x67: {  	v4 =	vmul.u32 $0x28, v52  }
0x68: {  	v3 =	vand.u32 $0x7, v3  }
0x69: {  	v3 =	vor.u32 v3, v4  }
0x6a: {  	v4 =	vperm.xlane v3, v0;
	_ =	sdelay $0x1  }
0x6b: {  	v4 =	vadd.s32 v1, v4;
	_ =	sdelay $0x3  }
0x6c: {  	s9 =	simm.s32 $0xA080;
	v3 =	vperm.xlane v3, v2  }
0x6d: {  	[tilespmem:s9], [sflag:$0x1] =	stream.indirect_vreg.gather [hbm4b:s3+s2], $0x80, v4, vm0, $0xb8;
	[tilespmem:$0x14080] =	vst v63  }
0x6e: {  	v3 =	vadd.s32 v1, v3;
	s9 =	simm.s32 $0xA880  }
0x6f: {  	[tilespmem:s9], [sflag:$0x1] =	stream.indirect_vreg.gather [hbm4b:s4+s2], $0x80, v4, vm0, $0xb8;
	[tilespmem:$0x14080] =	vst v63  }
0x70: {  	s9 =	simm.s32 $0xB080  }
0x71: {  	[tilespmem:s9], [sflag:$0x1] =	stream.indirect_vreg.gather [hbm4b:s5+s2], $0x80, v4, vm1, $0xb8;
	[tilespmem:$0x14080] =	vst v63  }
0x72: {  	s9 =	simm.s32 $0xB480  }
0x73: {  	[tilespmem:s9], [sflag:$0x1] =	stream.indirect_vreg.gather [hbm4b:s3+s2], $0x80, v3, vm0, $0xb8;
	[tilespmem:$0x14080] =	vst v63  }
0x74: {  	s9 =	simm.s32 $0xBC80  }
0x75: {  	[tilespmem:s9], [sflag:$0x1] =	stream.indirect_vreg.gather [hbm4b:s4+s2], $0x80, v3, vm0, $0xb8;
	[tilespmem:$0x14080] =	vst v63  }
0x76: {  	s9 =	simm.s32 $0xC480  }
0x77: {  	[tilespmem:s9], [sflag:$0x1] =	stream.indirect_vreg.gather [hbm4b:s5+s2], $0x80, v3, vm1, $0xb8;
	[tilespmem:$0x14080] =	vst v63  }
0x78: {  	v3 =	vld [tilespmem:$0x50];
	_ =	sdelay $0x4  }
0x79: {  	v53 =	vshrl.u32 v3, $0x3  }
0x7a: {  	v4 =	vmul.u32 $0x28, v53  }
0x7b: {  	v3 =	vand.u32 $0x7, v3  }
0x7c: {  	v3 =	vor.u32 v3, v4  }
0x7d: {  	v4 =	vperm.xlane v3, v0;
	_ =	sdelay $0x1  }
0x7e: {  	v4 =	vadd.s32 v1, v4;
	_ =	sdelay $0x3  }
0x7f: {  	s9 =	simm.s32 $0xC880;
	v3 =	vperm.xlane v3, v2  }
0x80: {  	[tilespmem:s9], [sflag:$0x1] =	stream.indirect_vreg.gather [hbm4b:s3+s2], $0x80, v4, vm0, $0xb8;
	[tilespmem:$0x14080] =	vst v63  }
0x81: {  	v3 =	vadd.s32 v1, v3;
	s9 =	simm.s32 $0xD080  }
0x82: {  	[tilespmem:s9], [sflag:$0x1] =	stream.indirect_vreg.gather [hbm4b:s4+s2], $0x80, v4, vm0, $0xb8;
	[tilespmem:$0x14080] =	vst v63  }
0x83: {  	s9 =	simm.s32 $0xD880  }
0x84: {  	[tilespmem:s9], [sflag:$0x1] =	stream.indirect_vreg.gather [hbm4b:s5+s2], $0x80, v4, vm1, $0xb8;
	[tilespmem:$0x14080] =	vst v63  }
0x85: {  	s9 =	simm.s32 $0xDC80  }
0x86: {  	[tilespmem:s9], [sflag:$0x1] =	stream.indirect_vreg.gather [hbm4b:s3+s2], $0x80, v3, vm0, $0xb8;
	[tilespmem:$0x14080] =	vst v63  }
0x87: {  	s9 =	simm.s32 $0xE480  }
0x88: {  	[tilespmem:s9], [sflag:$0x1] =	stream.indirect_vreg.gather [hbm4b:s4+s2], $0x80, v3, vm0, $0xb8;
	[tilespmem:$0x14080] =	vst v63  }
0x89: {  	s9 =	simm.s32 $0xEC80  }
0x8a: {  	[tilespmem:s9], [sflag:$0x1] =	stream.indirect_vreg.gather [hbm4b:s5+s2], $0x80, v3, vm1, $0xb8;
	[tilespmem:$0x14080] =	vst v63  }
0x8b: {  	v3 =	vld [tilespmem:$0x60];
	_ =	sdelay $0x4  }
0x8c: {  	v54 =	vshrl.u32 v3, $0x3  }
0x8d: {  	v4 =	vmul.u32 $0x28, v54  }
0x8e: {  	v3 =	vand.u32 $0x7, v3  }
0x8f: {  	v3 =	vor.u32 v3, v4  }
0x90: {  	v4 =	vperm.xlane v3, v0;
	_ =	sdelay $0x1  }
0x91: {  	v4 =	vadd.s32 v1, v4;
	_ =	sdelay $0x3  }
0x92: {  	s9 =	simm.s32 $0xF080;
	v3 =	vperm.xlane v3, v2  }
0x93: {  	[tilespmem:s9], [sflag:$0x1] =	stream.indirect_vreg.gather [hbm4b:s3+s2], $0x80, v4, vm0, $0xb8;
	[tilespmem:$0x14080] =	vst v63  }
0x94: {  	v3 =	vadd.s32 v1, v3;
	s9 =	simm.s32 $0xF880  }
0x95: {  	[tilespmem:s9], [sflag:$0x1] =	stream.indirect_vreg.gather [hbm4b:s4+s2], $0x80, v4, vm0, $0xb8;
	[tilespmem:$0x14080] =	vst v63  }
0x96: {  	s9 =	simm.s32 $0x10080  }
0x97: {  	[tilespmem:s9], [sflag:$0x1] =	stream.indirect_vreg.gather [hbm4b:s5+s2], $0x80, v4, vm1, $0xb8;
	[tilespmem:$0x14080] =	vst v63  }
0x98: {  	s9 =	simm.s32 $0x10480  }
0x99: {  	[tilespmem:s9], [sflag:$0x1] =	stream.indirect_vreg.gather [hbm4b:s3+s2], $0x80, v3, vm0, $0xb8;
	[tilespmem:$0x14080] =	vst v63  }
0x9a: {  	s9 =	simm.s32 $0x10C80  }
0x9b: {  	[tilespmem:s9], [sflag:$0x1] =	stream.indirect_vreg.gather [hbm4b:s4+s2], $0x80, v3, vm0, $0xb8;
	[tilespmem:$0x14080] =	vst v63  }
0x9c: {  	s9 =	simm.s32 $0x11480  }
0x9d: {  	[tilespmem:s9], [sflag:$0x1] =	stream.indirect_vreg.gather [hbm4b:s5+s2], $0x80, v3, vm1, $0xb8;
	[tilespmem:$0x14080] =	vst v63  }
0x9e: {  	v3 =	vld [tilespmem:$0x70];
	_ =	sdelay $0x4  }
0x9f: {  	v55 =	vshrl.u32 v3, $0x3  }
0xa0: {  	v4 =	vmul.u32 $0x28, v55  }
0xa1: {  	v3 =	vand.u32 $0x7, v3  }
0xa2: {  	v3 =	vor.u32 v3, v4  }
0xa3: {  	v4 =	vperm.xlane v3, v0;
	_ =	sdelay $0x1  }
0xa4: {  	v4 =	vadd.s32 v1, v4;
	_ =	sdelay $0x3  }
0xa5: {  	s9 =	simm.s32 $0x11880;
	v3 =	vperm.xlane v3, v2  }
0xa6: {  	[tilespmem:s9], [sflag:$0x1] =	stream.indirect_vreg.gather [hbm4b:s3+s2], $0x80, v4, vm0, $0xb8;
	[tilespmem:$0x14080] =	vst v63  }
0xa7: {  	v3 =	vadd.s32 v1, v3;
	s9 =	simm.s32 $0x12080  }
0xa8: {  	[tilespmem:s9], [sflag:$0x1] =	stream.indirect_vreg.gather [hbm4b:s4+s2], $0x80, v4, vm0, $0xb8;
	[tilespmem:$0x14080] =	vst v63  }
0xa9: {  	s9 =	simm.s32 $0x12880  }
0xaa: {  	[tilespmem:s9], [sflag:$0x1] =	stream.indirect_vreg.gather [hbm4b:s5+s2], $0x80, v4, vm1, $0xb8;
	[tilespmem:$0x14080] =	vst v63  }
0xab: {  	s9 =	simm.s32 $0x12C80  }
0xac: {  	[tilespmem:s9], [sflag:$0x1] =	stream.indirect_vreg.gather [hbm4b:s3+s2], $0x80, v3, vm0, $0xb8;
	[tilespmem:$0x14080] =	vst v63  }
0xad: {  	s9 =	simm.s32 $0x13480  }
0xae: {  	[tilespmem:s9], [sflag:$0x1] =	stream.indirect_vreg.gather [hbm4b:s4+s2], $0x80, v3, vm0, $0xb8;
	[tilespmem:$0x14080] =	vst v63  }
0xaf: {  	s9 =	simm.s32 $0x13C80  }
0xb0: {  	[tilespmem:s9], [sflag:$0x1] =	stream.indirect_vreg.gather [hbm4b:s5+s2], $0x80, v3, vm1, $0xb8;
	[tilespmem:$0x14080] =	vst v63  }
0xb1: {  	_ =	swait.ge [sflag:s1], $0x14000  }
0xb2: {  	[sflag:s1] =	ssyncset.done $0x0  }
0xb3: {  	s0 =	simm.s32 $0x80;
	s9 =	rddreg [dreg:$0x4];
	[sflag:s1] =	ssyncadd.s32 $0xFFFEC000  }
0xb4: {  	[hbm4b:s9+s2] =	stream.linear.scatter [tilespmem:s0], [sflag:$0x2], $0x14000, $0x38;
	[tilespmem:$0x14080] =	vst v63  }
0xb5: {  	_ =	swait.ge [sflag:s7], $0x14000  }
0xb6: {  	[sflag:s7] =	ssyncset.done $0x0  }
0xb7: {  	s9 =	rddreg [dreg:$0x5];
	[sflag:s7] =	ssyncadd.s32 $0xFFFEC000  }
0xb8: {  	[tilespmem:s2], [sflag:$0x2] =	stream.linear.gather [hbm4b:s9+s2], $0x80, $0x38;
	[tilespmem:$0x14080] =	vst v63  }
0xb9: {  	_ =	swait.ge [sflag:s7], $0x80  }
0xba: {  	[sflag:s7] =	ssyncset.done $0x0  }
0xbb: {  	[sflag:s7] =	ssyncadd.s32 $0xFFFFFF80  }
0xbc: {  	v3 =	vld [tilespmem:$0x0];
	_ =	sdelay $0x4  }
0xbd: {  	v56 =	vshrl.u32 v3, $0x3  }
0xbe: {  	v4 =	vmul.u32 $0x28, v56  }
0xbf: {  	v3 =	vand.u32 $0x7, v3  }
0xc0: {  	v3 =	vor.u32 v3, v4  }
0xc1: {  	v4 =	vperm.xlane v3, v0;
	_ =	sdelay $0x1  }
0xc2: {  	v4 =	vadd.s32 v1, v4;
	_ =	sdelay $0x3  }
0xc3: {  	v3 =	vperm.xlane v3, v2  }
0xc4: {  	[tilespmem:s0], [sflag:$0x1] =	stream.indirect_vreg.gather [hbm4b:s3+s2], $0x80, v4, vm0, $0xb8;
	[tilespmem:$0x14080] =	vst v63  }
0xc5: {  	v3 =	vadd.s32 v1, v3  }
0xc6: {  	[tilespmem:s10], [sflag:$0x1] =	stream.indirect_vreg.gather [hbm4b:s4+s2], $0x80, v4, vm0, $0xb8;
	[tilespmem:$0x14080] =	vst v63  }
0xc7: {  	_ = 	snop  }
0xc8: {  	[tilespmem:s11], [sflag:$0x1] =	stream.indirect_vreg.gather [hbm4b:s5+s2], $0x80, v4, vm1, $0xb8;
	[tilespmem:$0x14080] =	vst v63  }
0xc9: {  	_ = 	snop  }
0xca: {  	[tilespmem:s12], [sflag:$0x1] =	stream.indirect_vreg.gather [hbm4b:s3+s2], $0x80, v3, vm0, $0xb8;
	[tilespmem:$0x14080] =	vst v63  }
0xcb: {  	_ = 	snop  }
0xcc: {  	[tilespmem:s13], [sflag:$0x1] =	stream.indirect_vreg.gather [hbm4b:s4+s2], $0x80, v3, vm0, $0xb8;
	[tilespmem:$0x14080] =	vst v63  }
0xcd: {  	_ = 	snop  }
0xce: {  	[tilespmem:s14], [sflag:$0x1] =	stream.indirect_vreg.gather [hbm4b:s5+s2], $0x80, v3, vm1, $0xb8;
	[tilespmem:$0x14080] =	vst v63  }
0xcf: {  	v3 =	vld [tilespmem:$0x10];
	_ =	sdelay $0x4  }
0xd0: {  	v57 =	vshrl.u32 v3, $0x3  }
0xd1: {  	v4 =	vmul.u32 $0x28, v57  }
0xd2: {  	v3 =	vand.u32 $0x7, v3  }
0xd3: {  	v3 =	vor.u32 v3, v4  }
0xd4: {  	v4 =	vperm.xlane v3, v0;
	_ =	sdelay $0x1  }
0xd5: {  	v4 =	vadd.s32 v1, v4;
	_ =	sdelay $0x3  }
0xd6: {  	v3 =	vperm.xlane v3, v2  }
0xd7: {  	[tilespmem:s15], [sflag:$0x1] =	stream.indirect_vreg.gather [hbm4b:s3+s2], $0x80, v4, vm0, $0xb8;
	[tilespmem:$0x14080] =	vst v63  }
0xd8: {  	v3 =	vadd.s32 v1, v3  }
0xd9: {  	[tilespmem:s16], [sflag:$0x1] =	stream.indirect_vreg.gather [hbm4b:s4+s2], $0x80, v4, vm0, $0xb8;
	[tilespmem:$0x14080] =	vst v63  }
0xda: {  	_ = 	snop  }
0xdb: {  	[tilespmem:s17], [sflag:$0x1] =	stream.indirect_vreg.gather [hbm4b:s5+s2], $0x80, v4, vm1, $0xb8;
	[tilespmem:$0x14080] =	vst v63  }
0xdc: {  	_ = 	snop  }
0xdd: {  	[tilespmem:s18], [sflag:$0x1] =	stream.indirect_vreg.gather [hbm4b:s3+s2], $0x80, v3, vm0, $0xb8;
	[tilespmem:$0x14080] =	vst v63  }
0xde: {  	_ = 	snop  }
0xdf: {  	[tilespmem:s19], [sflag:$0x1] =	stream.indirect_vreg.gather [hbm4b:s4+s2], $0x80, v3, vm0, $0xb8;
	[tilespmem:$0x14080] =	vst v63  }
0xe0: {  	_ = 	snop  }
0xe1: {  	[tilespmem:s20], [sflag:$0x1] =	stream.indirect_vreg.gather [hbm4b:s5+s2], $0x80, v3, vm1, $0xb8;
	[tilespmem:$0x14080] =	vst v63  }
0xe2: {  	v3 =	vld [tilespmem:$0x20];
	_ =	sdelay $0x4  }
0xe3: {  	v58 =	vshrl.u32 v3, $0x3  }
0xe4: {  	v4 =	vmul.u32 $0x28, v58  }
0xe5: {  	v3 =	vand.u32 $0x7, v3  }
0xe6: {  	v3 =	vor.u32 v3, v4  }
0xe7: {  	v4 =	vperm.xlane v3, v0;
	_ =	sdelay $0x1  }
0xe8: {  	v4 =	vadd.s32 v1, v4;
	_ =	sdelay $0x3  }
0xe9: {  	v3 =	vperm.xlane v3, v2  }
0xea: {  	[tilespmem:s21], [sflag:$0x1] =	stream.indirect_vreg.gather [hbm4b:s3+s2], $0x80, v4, vm0, $0xb8;
	[tilespmem:$0x14080] =	vst v63  }
0xeb: {  	v3 =	vadd.s32 v1, v3  }
0xec: {  	[tilespmem:s22], [sflag:$0x1] =	stream.indirect_vreg.gather [hbm4b:s4+s2], $0x80, v4, vm0, $0xb8;
	[tilespmem:$0x14080] =	vst v63  }
0xed: {  	_ = 	snop  }
0xee: {  	[tilespmem:s23], [sflag:$0x1] =	stream.indirect_vreg.gather [hbm4b:s5+s2], $0x80, v4, vm1, $0xb8;
	[tilespmem:$0x14080] =	vst v63  }
0xef: {  	_ = 	snop  }
0xf0: {  	[tilespmem:s24], [sflag:$0x1] =	stream.indirect_vreg.gather [hbm4b:s3+s2], $0x80, v3, vm0, $0xb8;
	[tilespmem:$0x14080] =	vst v63  }
0xf1: {  	_ = 	snop  }
0xf2: {  	[tilespmem:s25], [sflag:$0x1] =	stream.indirect_vreg.gather [hbm4b:s4+s2], $0x80, v3, vm0, $0xb8;
	[tilespmem:$0x14080] =	vst v63  }
0xf3: {  	_ = 	snop  }
0xf4: {  	[tilespmem:s26], [sflag:$0x1] =	stream.indirect_vreg.gather [hbm4b:s5+s2], $0x80, v3, vm1, $0xb8;
	[tilespmem:$0x14080] =	vst v63  }
0xf5: {  	v3 =	vld [tilespmem:$0x30];
	_ =	sdelay $0x4  }
0xf6: {  	v59 =	vshrl.u32 v3, $0x3  }
0xf7: {  	v4 =	vmul.u32 $0x28, v59  }
0xf8: {  	v3 =	vand.u32 $0x7, v3  }
0xf9: {  	v3 =	vor.u32 v3, v4  }
0xfa: {  	v4 =	vperm.xlane v3, v0;
	_ =	sdelay $0x1  }
0xfb: {  	v4 =	vadd.s32 v1, v4;
	_ =	sdelay $0x3  }
0xfc: {  	v3 =	vperm.xlane v3, v2  }
0xfd: {  	[tilespmem:s28], [sflag:$0x1] =	stream.indirect_vreg.gather [hbm4b:s3+s2], $0x80, v4, vm0, $0xb8;
	[tilespmem:$0x14080] =	vst v63  }
0xfe: {  	v3 =	vadd.s32 v1, v3  }
0xff: {  	[tilespmem:s29], [sflag:$0x1] =	stream.indirect_vreg.gather [hbm4b:s4+s2], $0x80, v4, vm0, $0xb8;
	[tilespmem:$0x14080] =	vst v63  }
0x100: {  	_ = 	snop  }
0x101: {  	[tilespmem:s30], [sflag:$0x1] =	stream.indirect_vreg.gather [hbm4b:s5+s2], $0x80, v4, vm1, $0xb8;
	[tilespmem:$0x14080] =	vst v63  }
0x102: {  	_ = 	snop  }
0x103: {  	[tilespmem:s31], [sflag:$0x1] =	stream.indirect_vreg.gather [hbm4b:s3+s2], $0x80, v3, vm0, $0xb8;
	[tilespmem:$0x14080] =	vst v63  }
0x104: {  	s9 =	simm.s32 $0x9480  }
0x105: {  	[tilespmem:s9], [sflag:$0x1] =	stream.indirect_vreg.gather [hbm4b:s4+s2], $0x80, v3, vm0, $0xb8;
	[tilespmem:$0x14080] =	vst v63  }
0x106: {  	_ = 	snop  }
0x107: {  	[tilespmem:s8], [sflag:$0x1] =	stream.indirect_vreg.gather [hbm4b:s5+s2], $0x80, v3, vm1, $0xb8;
	[tilespmem:$0x14080] =	vst v63  }
0x108: {  	v3 =	vld [tilespmem:$0x40];
	_ =	sdelay $0x4  }
0x109: {  	v60 =	vshrl.u32 v3, $0x3  }
0x10a: {  	v4 =	vmul.u32 $0x28, v60  }
0x10b: {  	v3 =	vand.u32 $0x7, v3  }
0x10c: {  	v3 =	vor.u32 v3, v4  }
0x10d: {  	v4 =	vperm.xlane v3, v0;
	_ =	sdelay $0x1  }
0x10e: {  	v4 =	vadd.s32 v1, v4;
	_ =	sdelay $0x3  }
0x10f: {  	s9 =	simm.s32 $0xA080;
	v3 =	vperm.xlane v3, v2  }
0x110: {  	[tilespmem:s9], [sflag:$0x1] =	stream.indirect_vreg.gather [hbm4b:s3+s2], $0x80, v4, vm0, $0xb8;
	[tilespmem:$0x14080] =	vst v63  }
0x111: {  	v3 =	vadd.s32 v1, v3;
	s9 =	simm.s32 $0xA880  }
0x112: {  	[tilespmem:s9], [sflag:$0x1] =	stream.indirect_vreg.gather [hbm4b:s4+s2], $0x80, v4, vm0, $0xb8;
	[tilespmem:$0x14080] =	vst v63  }
0x113: {  	s9 =	simm.s32 $0xB080  }
0x114: {  	[tilespmem:s9], [sflag:$0x1] =	stream.indirect_vreg.gather [hbm4b:s5+s2], $0x80, v4, vm1, $0xb8;
	[tilespmem:$0x14080] =	vst v63  }
0x115: {  	s9 =	simm.s32 $0xB480  }
0x116: {  	[tilespmem:s9], [sflag:$0x1] =	stream.indirect_vreg.gather [hbm4b:s3+s2], $0x80, v3, vm0, $0xb8;
	[tilespmem:$0x14080] =	vst v63  }
0x117: {  	s9 =	simm.s32 $0xBC80  }
0x118: {  	[tilespmem:s9], [sflag:$0x1] =	stream.indirect_vreg.gather [hbm4b:s4+s2], $0x80, v3, vm0, $0xb8;
	[tilespmem:$0x14080] =	vst v63  }
0x119: {  	s9 =	simm.s32 $0xC480  }
0x11a: {  	[tilespmem:s9], [sflag:$0x1] =	stream.indirect_vreg.gather [hbm4b:s5+s2], $0x80, v3, vm1, $0xb8;
	[tilespmem:$0x14080] =	vst v63  }
0x11b: {  	v3 =	vld [tilespmem:$0x50];
	_ =	sdelay $0x4  }
0x11c: {  	v61 =	vshrl.u32 v3, $0x3  }
0x11d: {  	v4 =	vmul.u32 $0x28, v61  }
0x11e: {  	v3 =	vand.u32 $0x7, v3  }
0x11f: {  	v3 =	vor.u32 v3, v4  }
0x120: {  	v4 =	vperm.xlane v3, v0;
	_ =	sdelay $0x1  }
0x121: {  	v4 =	vadd.s32 v1, v4;
	_ =	sdelay $0x3  }
0x122: {  	s9 =	simm.s32 $0xC880;
	v3 =	vperm.xlane v3, v2  }
0x123: {  	[tilespmem:s9], [sflag:$0x1] =	stream.indirect_vreg.gather [hbm4b:s3+s2], $0x80, v4, vm0, $0xb8;
	[tilespmem:$0x14080] =	vst v63  }
0x124: {  	v3 =	vadd.s32 v1, v3;
	s9 =	simm.s32 $0xD080  }
0x125: {  	[tilespmem:s9], [sflag:$0x1] =	stream.indirect_vreg.gather [hbm4b:s4+s2], $0x80, v4, vm0, $0xb8;
	[tilespmem:$0x14080] =	vst v63  }
0x126: {  	s9 =	simm.s32 $0xD880  }
0x127: {  	[tilespmem:s9], [sflag:$0x1] =	stream.indirect_vreg.gather [hbm4b:s5+s2], $0x80, v4, vm1, $0xb8;
	[tilespmem:$0x14080] =	vst v63  }
0x128: {  	s9 =	simm.s32 $0xDC80  }
0x129: {  	[tilespmem:s9], [sflag:$0x1] =	stream.indirect_vreg.gather [hbm4b:s3+s2], $0x80, v3, vm0, $0xb8;
	[tilespmem:$0x14080] =	vst v63  }
0x12a: {  	s9 =	simm.s32 $0xE480  }
0x12b: {  	[tilespmem:s9], [sflag:$0x1] =	stream.indirect_vreg.gather [hbm4b:s4+s2], $0x80, v3, vm0, $0xb8;
	[tilespmem:$0x14080] =	vst v63  }
0x12c: {  	s9 =	simm.s32 $0xEC80  }
0x12d: {  	[tilespmem:s9], [sflag:$0x1] =	stream.indirect_vreg.gather [hbm4b:s5+s2], $0x80, v3, vm1, $0xb8;
	[tilespmem:$0x14080] =	vst v63  }
0x12e: {  	v3 =	vld [tilespmem:$0x60];
	_ =	sdelay $0x4  }
0x12f: {  	v62 =	vshrl.u32 v3, $0x3  }
0x130: {  	v4 =	vmul.u32 $0x28, v62  }
0x131: {  	v3 =	vand.u32 $0x7, v3  }
0x132: {  	v3 =	vor.u32 v3, v4  }
0x133: {  	v4 =	vperm.xlane v3, v0;
	_ =	sdelay $0x1  }
0x134: {  	v4 =	vadd.s32 v1, v4;
	_ =	sdelay $0x3  }
0x135: {  	s9 =	simm.s32 $0xF080;
	v3 =	vperm.xlane v3, v2  }
0x136: {  	[tilespmem:s9], [sflag:$0x1] =	stream.indirect_vreg.gather [hbm4b:s3+s2], $0x80, v4, vm0, $0xb8;
	[tilespmem:$0x14080] =	vst v63  }
0x137: {  	v3 =	vadd.s32 v1, v3;
	s9 =	simm.s32 $0xF880  }
0x138: {  	[tilespmem:s9], [sflag:$0x1] =	stream.indirect_vreg.gather [hbm4b:s4+s2], $0x80, v4, vm0, $0xb8;
	[tilespmem:$0x14080] =	vst v63  }
0x139: {  	s9 =	simm.s32 $0x10080  }
0x13a: {  	[tilespmem:s9], [sflag:$0x1] =	stream.indirect_vreg.gather [hbm4b:s5+s2], $0x80, v4, vm1, $0xb8;
	[tilespmem:$0x14080] =	vst v63  }
0x13b: {  	s9 =	simm.s32 $0x10480  }
0x13c: {  	[tilespmem:s9], [sflag:$0x1] =	stream.indirect_vreg.gather [hbm4b:s3+s2], $0x80, v3, vm0, $0xb8;
	[tilespmem:$0x14080] =	vst v63  }
0x13d: {  	s9 =	simm.s32 $0x10C80  }
0x13e: {  	[tilespmem:s9], [sflag:$0x1] =	stream.indirect_vreg.gather [hbm4b:s4+s2], $0x80, v3, vm0, $0xb8;
	[tilespmem:$0x14080] =	vst v63  }
0x13f: {  	s9 =	simm.s32 $0x11480  }
0x140: {  	[tilespmem:s9], [sflag:$0x1] =	stream.indirect_vreg.gather [hbm4b:s5+s2], $0x80, v3, vm1, $0xb8;
	[tilespmem:$0x14080] =	vst v63  }
0x141: {  	v3 =	vld [tilespmem:$0x70];
	_ =	sdelay $0x4  }
0x142: {  	v63 =	vshrl.u32 v3, $0x3  }
0x143: {  	v4 =	vmul.u32 $0x28, v63  }
0x144: {  	v3 =	vand.u32 $0x7, v3  }
0x145: {  	v3 =	vor.u32 v3, v4  }
0x146: {  	v4 =	vperm.xlane v3, v0;
	_ =	sdelay $0x1  }
0x147: {  	v4 =	vadd.s32 v1, v4;
	_ =	sdelay $0x3  }
0x148: {  	s9 =	simm.s32 $0x11880;
	v3 =	vperm.xlane v3, v2  }
0x149: {  	[tilespmem:s9], [sflag:$0x1] =	stream.indirect_vreg.gather [hbm4b:s3+s2], $0x80, v4, vm0, $0xb8;
	[tilespmem:$0x14080] =	vst v63  }
0x14a: {  	v3 =	vadd.s32 v1, v3;
	s9 =	simm.s32 $0x12080  }
0x14b: {  	[tilespmem:s9], [sflag:$0x1] =	stream.indirect_vreg.gather [hbm4b:s4+s2], $0x80, v4, vm0, $0xb8;
	[tilespmem:$0x14080] =	vst v63  }
0x14c: {  	s9 =	simm.s32 $0x12880  }
0x14d: {  	[tilespmem:s9], [sflag:$0x1] =	stream.indirect_vreg.gather [hbm4b:s5+s2], $0x80, v4, vm1, $0xb8;
	[tilespmem:$0x14080] =	vst v63  }
0x14e: {  	s9 =	simm.s32 $0x12C80  }
0x14f: {  	[tilespmem:s9], [sflag:$0x1] =	stream.indirect_vreg.gather [hbm4b:s3+s2], $0x80, v3, vm0, $0xb8;
	[tilespmem:$0x14080] =	vst v63  }
0x150: {  	s9 =	simm.s32 $0x13480  }
0x151: {  	[tilespmem:s9], [sflag:$0x1] =	stream.indirect_vreg.gather [hbm4b:s4+s2], $0x80, v3, vm0, $0xb8;
	[tilespmem:$0x14080] =	vst v63  }
0x152: {  	s9 =	simm.s32 $0x13C80  }
0x153: {  	[tilespmem:s9], [sflag:$0x1] =	stream.indirect_vreg.gather [hbm4b:s5+s2], $0x80, v3, vm1, $0xb8;
	[tilespmem:$0x14080] =	vst v63  }
0x154: {  	_ =	swait.ge [sflag:s1], $0x14000  }
0x155: {  	p0 =	sne.s32 s6, $0x1;
	s0 =	simm.s32 $0x80;
	[sflag:s1] =	ssyncset.done $0x0  }
.Ltmp0:
0x156: {  	s9 =	rddreg [dreg:$0x6];
	[sflag:s1] =	ssyncadd.s32 $0xFFFEC000;
	(pc) =	sbr.rel @p0 .LBB2_1-.Ltmp0, $4  }
0x157: {  	[hbm4b:s9+s2] =	stream.linear.scatter [tilespmem:s0], [sflag:$0x2], $0x14000, $0x38;
	[tilespmem:$0x14080] =	vst v63  }
0x158: {  	_ =	swait.ge [sflag:s7], $0x14000  }
0x159: {  	[sflag:s7] =	ssyncset.done $0x0  }
0x15a: {  	s6 =	sadd.s32 $0xFFFFFFFF, s6;
	[sflag:s7] =	ssyncadd.s32 $0xFFFEC000  }
0x15b: {  	_ =	sfence.sel $0x180000  }
0x15c: {  	[bflag:$0x0] =	sbarrier.arrive $0xFFFF  }
0x15d: {  	_ =	strace $0x90000047  }
0x15e: {  	s0 =	stileid.u32;
	[bflag:$0x2] =	sbarrier.arrive $0xFFFF  }
0x15f: {  	p0 =	sne.s32 s0, $0x0;
	s0 =	rddreg [dreg:$0x2]  }
0x160: {  	s0 =	sadd.s32 @!p0 $0x100000, s0  }
0x161: {  	[sflag:s0] =	ssyncadd.tile.s32 @!p0 $0x1;
	_ =	shalt  }
.Lfunc_end2:
_tile_overlayer_lowered:
.L_overlay_start_2:
0x162: {  	(tag) =	ssettag $0x2  }
0x163: {  	s0 =	rddreg [dreg:$0x0];
	s2 =	stileid.u32  }
0x164: {  	s1 =	rddreg [dreg:$0x1];
	p0 =	sne.s32 s2, $0x0  }
0x165: {  	s3 =	rddreg [dreg:$0x2];
	[bflag:$0x3] =	sbarrier.arrive $0xFFFF;
	s2 =	simm.s32 @!p0 $0x1C02  }
0x166: {  	[timem:s3], [sflag:s2] =	dma.local @!p0 [hbm:s0], s1  }
0x167: {  	s0 =	simm.s32 @!p0 $0x2  }
0x168: {  	_ =	swait.ge @!p0 [sflag:s0], s1  }
0x169: {  	s1 =	ssub.s32 @!p0 $0x0, s1;
	[sflag:s0] =	ssyncset.done @!p0 $0x0  }
0x16a: {  	[sflag:s0] =	ssyncadd.s32 @!p0 s1  }
0x16b: {  	[bflag:$0x3] =	sbarrier.arrive $0xFFFF  }
0x16c: {  	_ =	shalt  }

</sc_bundles>
